<compile_context>
chip_gen: v7x
topology: tpu7x:2x2x1
jax: 0.10.2.dev20260603
libtpu: 0.0.44.dev20260713+nightly
codegen_flags: <defaults>
</compile_context>

<pallas_src>
import functools

import jax
import jax.numpy as jnp
from jax import lax
from jax.experimental import pallas as pl
from jax.experimental.pallas import tpu as pltpu
from jax.experimental.pallas import tpu_sc as plsc

B = 4096
H = 50
D = 64
PD = 128
NC, NS = 2, 16
NW = NC * NS
TPW = B // NW
TPC = 2
NCHUNK = TPW // TPC
NBUF = 4
LOOK = 2

_mesh = plsc.VectorSubcoreMesh(core_axis_name="c", subcore_axis_name="s")


@functools.partial(
    pl.kernel,
    mesh=_mesh,
    out_type=jax.ShapeDtypeStruct((B, H, PD), jnp.float32),
    scratch_types=[
        pltpu.VMEM((TPW, H), jnp.int32),
        pltpu.VMEM((NBUF, TPC, H, PD), jnp.float32),
        [pltpu.SemaphoreType.DMA] * NBUF,
        [pltpu.SemaphoreType.DMA] * NBUF,
    ],
    compiler_params=pltpu.CompilerParams(use_tc_tiling_on_sc=True),
)
def _emb_lookup(idx_hbm, table_hbm, out_hbm, idx_v, rows_v, gsems, wsems):
    wid = lax.axis_index("s") * NC + lax.axis_index("c")
    tok0 = wid * TPW

    pltpu.sync_copy(idx_hbm.at[pl.ds(tok0, TPW)], idx_v)

    def fire_gathers(c, b):
        for j in range(TPC):
            pltpu.async_copy(table_hbm.at[idx_v.at[c * TPC + j]],
                             rows_v.at[b, j], gsems[b])

    def wait_gathers(c, b):
        for j in range(TPC):
            pltpu.make_async_copy(table_hbm.at[idx_v.at[c * TPC + j]],
                                  rows_v.at[b, j], gsems[b]).wait()

    def fire_writeback(c, b):
        pltpu.async_copy(rows_v.at[b],
                         out_hbm.at[pl.ds(tok0 + c * TPC, TPC)], wsems[b])

    def wait_writeback(c, b):
        pltpu.make_async_copy(rows_v.at[b],
                              out_hbm.at[pl.ds(tok0 + c * TPC, TPC)],
                              wsems[b]).wait()

    for b in range(LOOK):
        fire_gathers(b, b)

    def step(c, b):
        wait_gathers(c, b)
        fire_writeback(c, b)
        n = c + LOOK
        bn = (b + LOOK) % NBUF

        @pl.when(n < NCHUNK)
        def _():
            @pl.when(n >= NBUF)
            def _():
                wait_writeback(n - NBUF, bn)

            fire_gathers(n, bn)
        return 0

    lax.fori_loop(
        0, NCHUNK // NBUF,
        lambda i, x: [step(i * NBUF + b, b) for b in range(NBUF)][-1],
        0, unroll=False)

    for m in range(NCHUNK - NBUF, NCHUNK):
        wait_writeback(m, m % NBUF)


def kernel(token_ids, weight):
    wpad = jnp.pad(weight, ((0, 0), (0, PD - D)))
    out = _emb_lookup(token_ids.astype(jnp.int32), wpad)
    return out[:, :, :D]

# --- scband reference (transcript-rebuilt; emitter-appended) ---
"""Pipeline reference for scband-embedding-1151051235356 (READ-ONLY COPY).

The authoritative reference and input builder live on the scoring server;
editing this copy changes nothing except your own understanding.
"""

import jax, jax.numpy as jnp
import numpy as np

NUM_EMBEDDING = 100000
EMBEDDING_DIM = 64
BATCH = 4096
HIST = 50

def setup_inputs(seed: int = 0) -> dict:
    key = jax.random.key(seed)
    k_idx, k_w = jax.random.split(key)
    token_ids = jax.random.randint(k_idx, (BATCH, HIST), 0, NUM_EMBEDDING, dtype=jnp.int64) if jax.config.jax_enable_x64 else jax.random.randint(k_idx, (BATCH, HIST), 0, NUM_EMBEDDING, dtype=jnp.int32)
    # truncated-normal init, std=1.0, truncated at +/-3 std
    weight = jax.random.truncated_normal(k_w, -3.0, 3.0, (NUM_EMBEDDING, EMBEDDING_DIM), dtype=jnp.float32)
    return {"token_ids": token_ids, "weight": weight}

def reference(token_ids, weight):
    # Embedding lookup: weight[token_ids] -> [B, L, D]
    return jnp.take(weight, token_ids, axis=0)

if __name__ == "__main__":
    import jax
    _d = setup_inputs()
    print(jax.jit(kernel)(*tuple(_d.values())))

</pallas_src>

<mosaic_0001>
#map = affine_map<(d0, d1) -> (0, 0)>
#map1 = affine_map<(d0, d1) -> (0, 0, 0)>
module attributes {stable_mosaic.version = 14 : i64} {
  func.func @_emb_lookup(%arg0: i32, %arg1: i32, %arg2: memref<4096x50xi32, #tpu.memory_space<hbm>>, %arg3: memref<100000x128xf32, #tpu.memory_space<hbm>>, %arg4: memref<4096x50x128xf32, #tpu.memory_space<hbm>>, %arg5: memref<128x50xi32, #tpu.memory_space<vmem>>, %arg6: memref<4x2x50x128xf32, #tpu.memory_space<vmem>>, %arg7: memref<!tpu.dma_semaphore, #tpu.memory_space<semaphore_mem>>, %arg8: memref<!tpu.dma_semaphore, #tpu.memory_space<semaphore_mem>>, %arg9: memref<!tpu.dma_semaphore, #tpu.memory_space<semaphore_mem>>, %arg10: memref<!tpu.dma_semaphore, #tpu.memory_space<semaphore_mem>>, %arg11: memref<!tpu.dma_semaphore, #tpu.memory_space<semaphore_mem>>, %arg12: memref<!tpu.dma_semaphore, #tpu.memory_space<semaphore_mem>>, %arg13: memref<!tpu.dma_semaphore, #tpu.memory_space<semaphore_mem>>, %arg14: memref<!tpu.dma_semaphore, #tpu.memory_space<semaphore_mem>>) attributes {dimension_semantics = [#tpu.dimension_semantics<core_parallel>, #tpu.dimension_semantics<subcore_parallel>], iteration_bounds = array<i64: 2, 16>, scalar_prefetch = 0 : i64, scratch_operands = 10 : i64, tpu.core_type = #tpu.core_type<sc_vector_subcore>, window_params = [{transform_indices = #map}, {transform_indices = #map}, {transform_indices = #map1}]} {
    %mul3A = arith.constant 2 : i32
    %mul3A_0 = arith.muli %arg1, %mul3A : i32
    %add3A = arith.addi %mul3A_0, %arg0 : i32
    %mul3A_1 = arith.constant 128 : i32
    %mul3A_2 = arith.muli %add3A, %mul3A_1 : i32
    "tpu.region"() ({
      %run_scoped3A = tpu.sem_alloc : memref<!tpu.dma_semaphore, #tpu.memory_space<semaphore_mem>>
      %dma_start3A_135 = arith.constant 0 : i32
      %dma_start3A_136 = tpu.memref_slice %arg2[%mul3A_2, %dma_start3A_135] : memref<4096x50xi32, #tpu.memory_space<hbm>> -> memref<128x50xi32, #tpu.memory_space<hbm>>
      %dma_start3A_137 = arith.constant 0 : i32
      %dma_start3A_138 = tpu.memref_slice %arg2[%mul3A_2, %dma_start3A_137] : memref<4096x50xi32, #tpu.memory_space<hbm>> -> memref<128x50xi32, #tpu.memory_space<hbm>>
      tpu.enqueue_dma source(%dma_start3A_138 : memref<128x50xi32, #tpu.memory_space<hbm>>) target(%arg5 : memref<128x50xi32, #tpu.memory_space<vmem>>) target_semaphore(%run_scoped3A : memref<!tpu.dma_semaphore, #tpu.memory_space<semaphore_mem>>)
      %dma_wait3A_139 = arith.constant 0 : i32
      %dma_wait3A_140 = tpu.memref_slice %arg2[%mul3A_2, %dma_wait3A_139] : memref<4096x50xi32, #tpu.memory_space<hbm>> -> memref<128x50xi32, #tpu.memory_space<hbm>>
      %dma_wait3A_141 = arith.constant 0 : i32
      %dma_wait3A_142 = tpu.memref_slice %arg2[%mul3A_2, %dma_wait3A_141] : memref<4096x50xi32, #tpu.memory_space<hbm>> -> memref<128x50xi32, #tpu.memory_space<hbm>>
      tpu.wait_dma2 semaphore(%run_scoped3A : memref<!tpu.dma_semaphore, #tpu.memory_space<semaphore_mem>>) src(%dma_wait3A_142 : memref<128x50xi32, #tpu.memory_space<hbm>>) dst(%arg5 : memref<128x50xi32, #tpu.memory_space<vmem>>)
      tpu.yield
    }) : () -> ()
    %dma_start3A = arith.constant 0 : i32
    %dma_start3A_3 = arith.constant 0 : i32
    %dma_start3A_4 = arith.constant 0 : i32
    %dma_start3A_5 = arith.constant 0 : i32
    %dma_start3A_6 = arith.constant 0 : i32
    %dma_start3A_7 = tpu.memref_slice %arg6[%dma_start3A_3, %dma_start3A_4, %dma_start3A_5, %dma_start3A_6] : memref<4x2x50x128xf32, #tpu.memory_space<vmem>> -> memref<1x1x50x128xf32, #tpu.memory_space<vmem>>
    %dma_start3A_8 = tpu.memref_squeeze %dma_start3A_7 : memref<1x1x50x128xf32, #tpu.memory_space<vmem>> -> memref<50x128xf32, #tpu.memory_space<vmem>>
    %dma_start3A_9 = arith.constant 0 : i32
    %dma_start3A_10 = tpu.memref_slice %arg5[%dma_start3A, %dma_start3A_9] : memref<128x50xi32, #tpu.memory_space<vmem>> -> memref<1x50xi32, #tpu.memory_space<vmem>>
    %dma_start3A_11 = tpu.memref_squeeze %dma_start3A_10 : memref<1x50xi32, #tpu.memory_space<vmem>> -> memref<50xi32, #tpu.memory_space<vmem>>
    %dma_start3A_12 = arith.constant 0 : i32
    %dma_start3A_13 = arith.constant 0 : i32
    %dma_start3A_14 = tpu.memref_slice %arg3[%dma_start3A_12, %dma_start3A_13] : memref<100000x128xf32, #tpu.memory_space<hbm>> -> memref<100000x128xf32, #tpu.memory_space<hbm>>
    tpu.enqueue_indirect_dma source(%dma_start3A_14 : memref<100000x128xf32, #tpu.memory_space<hbm>>) target(%dma_start3A_8 : memref<50x128xf32, #tpu.memory_space<vmem>>) offsets(%dma_start3A_11 : memref<50xi32, #tpu.memory_space<vmem>>) semaphore(%arg7 : memref<!tpu.dma_semaphore, #tpu.memory_space<semaphore_mem>>)
    %dma_start3A_15 = arith.constant 1 : i32
    %dma_start3A_16 = arith.constant 0 : i32
    %dma_start3A_17 = arith.constant 1 : i32
    %dma_start3A_18 = arith.constant 0 : i32
    %dma_start3A_19 = arith.constant 0 : i32
    %dma_start3A_20 = tpu.memref_slice %arg6[%dma_start3A_16, %dma_start3A_17, %dma_start3A_18, %dma_start3A_19] : memref<4x2x50x128xf32, #tpu.memory_space<vmem>> -> memref<1x1x50x128xf32, #tpu.memory_space<vmem>>
    %dma_start3A_21 = tpu.memref_squeeze %dma_start3A_20 : memref<1x1x50x128xf32, #tpu.memory_space<vmem>> -> memref<50x128xf32, #tpu.memory_space<vmem>>
    %dma_start3A_22 = arith.constant 0 : i32
    %dma_start3A_23 = tpu.memref_slice %arg5[%dma_start3A_15, %dma_start3A_22] : memref<128x50xi32, #tpu.memory_space<vmem>> -> memref<1x50xi32, #tpu.memory_space<vmem>>
    %dma_start3A_24 = tpu.memref_squeeze %dma_start3A_23 : memref<1x50xi32, #tpu.memory_space<vmem>> -> memref<50xi32, #tpu.memory_space<vmem>>
    %dma_start3A_25 = arith.constant 0 : i32
    %dma_start3A_26 = arith.constant 0 : i32
    %dma_start3A_27 = tpu.memref_slice %arg3[%dma_start3A_25, %dma_start3A_26] : memref<100000x128xf32, #tpu.memory_space<hbm>> -> memref<100000x128xf32, #tpu.memory_space<hbm>>
    tpu.enqueue_indirect_dma source(%dma_start3A_27 : memref<100000x128xf32, #tpu.memory_space<hbm>>) target(%dma_start3A_21 : memref<50x128xf32, #tpu.memory_space<vmem>>) offsets(%dma_start3A_24 : memref<50xi32, #tpu.memory_space<vmem>>) semaphore(%arg7 : memref<!tpu.dma_semaphore, #tpu.memory_space<semaphore_mem>>)
    %dma_start3A_28 = arith.constant 2 : i32
    %dma_start3A_29 = arith.constant 1 : i32
    %dma_start3A_30 = arith.constant 0 : i32
    %dma_start3A_31 = arith.constant 0 : i32
    %dma_start3A_32 = arith.constant 0 : i32
    %dma_start3A_33 = tpu.memref_slice %arg6[%dma_start3A_29, %dma_start3A_30, %dma_start3A_31, %dma_start3A_32] : memref<4x2x50x128xf32, #tpu.memory_space<vmem>> -> memref<1x1x50x128xf32, #tpu.memory_space<vmem>>
    %dma_start3A_34 = tpu.memref_squeeze %dma_start3A_33 : memref<1x1x50x128xf32, #tpu.memory_space<vmem>> -> memref<50x128xf32, #tpu.memory_space<vmem>>
    %dma_start3A_35 = arith.constant 0 : i32
    %dma_start3A_36 = tpu.memref_slice %arg5[%dma_start3A_28, %dma_start3A_35] : memref<128x50xi32, #tpu.memory_space<vmem>> -> memref<1x50xi32, #tpu.memory_space<vmem>>
    %dma_start3A_37 = tpu.memref_squeeze %dma_start3A_36 : memref<1x50xi32, #tpu.memory_space<vmem>> -> memref<50xi32, #tpu.memory_space<vmem>>
    %dma_start3A_38 = arith.constant 0 : i32
    %dma_start3A_39 = arith.constant 0 : i32
    %dma_start3A_40 = tpu.memref_slice %arg3[%dma_start3A_38, %dma_start3A_39] : memref<100000x128xf32, #tpu.memory_space<hbm>> -> memref<100000x128xf32, #tpu.memory_space<hbm>>
    tpu.enqueue_indirect_dma source(%dma_start3A_40 : memref<100000x128xf32, #tpu.memory_space<hbm>>) target(%dma_start3A_34 : memref<50x128xf32, #tpu.memory_space<vmem>>) offsets(%dma_start3A_37 : memref<50xi32, #tpu.memory_space<vmem>>) semaphore(%arg8 : memref<!tpu.dma_semaphore, #tpu.memory_space<semaphore_mem>>)
    %dma_start3A_41 = arith.constant 3 : i32
    %dma_start3A_42 = arith.constant 1 : i32
    %dma_start3A_43 = arith.constant 1 : i32
    %dma_start3A_44 = arith.constant 0 : i32
    %dma_start3A_45 = arith.constant 0 : i32
    %dma_start3A_46 = tpu.memref_slice %arg6[%dma_start3A_42, %dma_start3A_43, %dma_start3A_44, %dma_start3A_45] : memref<4x2x50x128xf32, #tpu.memory_space<vmem>> -> memref<1x1x50x128xf32, #tpu.memory_space<vmem>>
    %dma_start3A_47 = tpu.memref_squeeze %dma_start3A_46 : memref<1x1x50x128xf32, #tpu.memory_space<vmem>> -> memref<50x128xf32, #tpu.memory_space<vmem>>
    %dma_start3A_48 = arith.constant 0 : i32
    %dma_start3A_49 = tpu.memref_slice %arg5[%dma_start3A_41, %dma_start3A_48] : memref<128x50xi32, #tpu.memory_space<vmem>> -> memref<1x50xi32, #tpu.memory_space<vmem>>
    %dma_start3A_50 = tpu.memref_squeeze %dma_start3A_49 : memref<1x50xi32, #tpu.memory_space<vmem>> -> memref<50xi32, #tpu.memory_space<vmem>>
    %dma_start3A_51 = arith.constant 0 : i32
    %dma_start3A_52 = arith.constant 0 : i32
    %dma_start3A_53 = tpu.memref_slice %arg3[%dma_start3A_51, %dma_start3A_52] : memref<100000x128xf32, #tpu.memory_space<hbm>> -> memref<100000x128xf32, #tpu.memory_space<hbm>>
    tpu.enqueue_indirect_dma source(%dma_start3A_53 : memref<100000x128xf32, #tpu.memory_space<hbm>>) target(%dma_start3A_47 : memref<50x128xf32, #tpu.memory_space<vmem>>) offsets(%dma_start3A_50 : memref<50xi32, #tpu.memory_space<vmem>>) semaphore(%arg8 : memref<!tpu.dma_semaphore, #tpu.memory_space<semaphore_mem>>)
    %scan3A = arith.constant 0 : i32
    %scan3A_54 = arith.constant 0 : i32
    %scan3A_55 = arith.constant 16 : i32
    %scan3A_56 = arith.addi %scan3A_54, %scan3A_55 : i32
    %scan3A_57 = arith.constant 1 : i32
    %scan3A_58 = scf.for %scan3A_135 = %scan3A_54 to %scan3A_56 step %scan3A_57 iter_args(%scan3A_136 = %scan3A) -> (i32)  : i32 {
      %mul3A_137 = arith.constant 4 : i32
      %mul3A_138 = arith.muli %scan3A_135, %mul3A_137 : i32
      %add3A_139 = arith.constant 0 : i32
      %add3A_140 = arith.addi %mul3A_138, %add3A_139 : i32
      %mul3A_141 = arith.constant 2 : i32
      %mul3A_142 = arith.muli %add3A_140, %mul3A_141 : i32
      %add3A_143 = arith.constant 0 : i32
      %add3A_144 = arith.addi %mul3A_142, %add3A_143 : i32
      %dma_wait3A_145 = arith.constant 0 : i32
      %dma_wait3A_146 = arith.constant 0 : i32
      %dma_wait3A_147 = arith.constant 0 : i32
      %dma_wait3A_148 = arith.constant 0 : i32
      %dma_wait3A_149 = tpu.memref_slice %arg6[%dma_wait3A_145, %dma_wait3A_146, %dma_wait3A_147, %dma_wait3A_148] : memref<4x2x50x128xf32, #tpu.memory_space<vmem>> -> memref<1x1x50x128xf32, #tpu.memory_space<vmem>>
      %dma_wait3A_150 = tpu.memref_squeeze %dma_wait3A_149 : memref<1x1x50x128xf32, #tpu.memory_space<vmem>> -> memref<50x128xf32, #tpu.memory_space<vmem>>
      %dma_wait3A_151 = arith.constant 0 : i32
      %dma_wait3A_152 = tpu.memref_slice %arg5[%add3A_144, %dma_wait3A_151] : memref<128x50xi32, #tpu.memory_space<vmem>> -> memref<1x50xi32, #tpu.memory_space<vmem>>
      %dma_wait3A_153 = tpu.memref_squeeze %dma_wait3A_152 : memref<1x50xi32, #tpu.memory_space<vmem>> -> memref<50xi32, #tpu.memory_space<vmem>>
      %dma_wait3A_154 = arith.constant 0 : i32
      %dma_wait3A_155 = arith.constant 0 : i32
      %dma_wait3A_156 = tpu.memref_slice %arg3[%dma_wait3A_154, %dma_wait3A_155] : memref<100000x128xf32, #tpu.memory_space<hbm>> -> memref<100000x128xf32, #tpu.memory_space<hbm>>
      tpu.wait_indirect_dma semaphore(%arg7 : memref<!tpu.dma_semaphore, #tpu.memory_space<semaphore_mem>>) src(%dma_wait3A_156 : memref<100000x128xf32, #tpu.memory_space<hbm>>) dst(%dma_wait3A_150 : memref<50x128xf32, #tpu.memory_space<vmem>>)
      %mul3A_157 = arith.constant 2 : i32
      %mul3A_158 = arith.muli %add3A_140, %mul3A_157 : i32
      %add3A_159 = arith.constant 1 : i32
      %add3A_160 = arith.addi %mul3A_158, %add3A_159 : i32
      %dma_wait3A_161 = arith.constant 0 : i32
      %dma_wait3A_162 = arith.constant 1 : i32
      %dma_wait3A_163 = arith.constant 0 : i32
      %dma_wait3A_164 = arith.constant 0 : i32
      %dma_wait3A_165 = tpu.memref_slice %arg6[%dma_wait3A_161, %dma_wait3A_162, %dma_wait3A_163, %dma_wait3A_164] : memref<4x2x50x128xf32, #tpu.memory_space<vmem>> -> memref<1x1x50x128xf32, #tpu.memory_space<vmem>>
      %dma_wait3A_166 = tpu.memref_squeeze %dma_wait3A_165 : memref<1x1x50x128xf32, #tpu.memory_space<vmem>> -> memref<50x128xf32, #tpu.memory_space<vmem>>
      %dma_wait3A_167 = arith.constant 0 : i32
      %dma_wait3A_168 = tpu.memref_slice %arg5[%add3A_160, %dma_wait3A_167] : memref<128x50xi32, #tpu.memory_space<vmem>> -> memref<1x50xi32, #tpu.memory_space<vmem>>
      %dma_wait3A_169 = tpu.memref_squeeze %dma_wait3A_168 : memref<1x50xi32, #tpu.memory_space<vmem>> -> memref<50xi32, #tpu.memory_space<vmem>>
      %dma_wait3A_170 = arith.constant 0 : i32
      %dma_wait3A_171 = arith.constant 0 : i32
      %dma_wait3A_172 = tpu.memref_slice %arg3[%dma_wait3A_170, %dma_wait3A_171] : memref<100000x128xf32, #tpu.memory_space<hbm>> -> memref<100000x128xf32, #tpu.memory_space<hbm>>
      tpu.wait_indirect_dma semaphore(%arg7 : memref<!tpu.dma_semaphore, #tpu.memory_space<semaphore_mem>>) src(%dma_wait3A_172 : memref<100000x128xf32, #tpu.memory_space<hbm>>) dst(%dma_wait3A_166 : memref<50x128xf32, #tpu.memory_space<vmem>>)
      %mul3A_173 = arith.constant 2 : i32
      %mul3A_174 = arith.muli %add3A_140, %mul3A_173 : i32
      %add3A_175 = arith.addi %mul3A_2, %mul3A_174 : i32
      %dma_start3A_176 = arith.constant 0 : i32
      %dma_start3A_177 = arith.constant 0 : i32
      %dma_start3A_178 = arith.constant 0 : i32
      %dma_start3A_179 = arith.constant 0 : i32
      %dma_start3A_180 = tpu.memref_slice %arg6[%dma_start3A_176, %dma_start3A_177, %dma_start3A_178, %dma_start3A_179] : memref<4x2x50x128xf32, #tpu.memory_space<vmem>> -> memref<1x2x50x128xf32, #tpu.memory_space<vmem>>
      %dma_start3A_181 = tpu.memref_squeeze %dma_start3A_180 : memref<1x2x50x128xf32, #tpu.memory_space<vmem>> -> memref<2x50x128xf32, #tpu.memory_space<vmem>>
      %dma_start3A_182 = arith.constant 0 : i32
      %dma_start3A_183 = arith.constant 0 : i32
      %dma_start3A_184 = tpu.memref_slice %arg4[%add3A_175, %dma_start3A_182, %dma_start3A_183] : memref<4096x50x128xf32, #tpu.memory_space<hbm>> -> memref<2x50x128xf32, #tpu.memory_space<hbm>>
      %dma_start3A_185 = arith.constant 0 : i32
      %dma_start3A_186 = arith.constant 0 : i32
      %dma_start3A_187 = tpu.memref_slice %arg4[%add3A_175, %dma_start3A_185, %dma_start3A_186] : memref<4096x50x128xf32, #tpu.memory_space<hbm>> -> memref<2x50x128xf32, #tpu.memory_space<hbm>>
      %dma_start3A_188 = arith.constant 0 : i32
      %dma_start3A_189 = arith.constant 0 : i32
      %dma_start3A_190 = arith.constant 0 : i32
      %dma_start3A_191 = tpu.memref_slice %arg6[%dma_start3A_176, %dma_start3A_188, %dma_start3A_189, %dma_start3A_190] : memref<4x2x50x128xf32, #tpu.memory_space<vmem>> -> memref<1x2x50x128xf32, #tpu.memory_space<vmem>>
      %dma_start3A_192 = tpu.memref_squeeze %dma_start3A_191 : memref<1x2x50x128xf32, #tpu.memory_space<vmem>> -> memref<2x50x128xf32, #tpu.memory_space<vmem>>
      tpu.enqueue_dma source(%dma_start3A_192 : memref<2x50x128xf32, #tpu.memory_space<vmem>>) target(%dma_start3A_187 : memref<2x50x128xf32, #tpu.memory_space<hbm>>) target_semaphore(%arg11 : memref<!tpu.dma_semaphore, #tpu.memory_space<semaphore_mem>>)
      %add3A_193 = arith.constant 2 : i32
      %add3A_194 = arith.addi %add3A_140, %add3A_193 : i32
      %lt3A = arith.constant 64 : i32
      %lt3A_195 = arith.cmpi slt, %add3A_194, %lt3A : i32
      %convert_element_type3A = arith.extui %lt3A_195 : i1 to i32
      %cond3A = arith.constant 0 : i32
      %cond3A_196 = arith.cmpi ne, %convert_element_type3A, %cond3A : i32
      scf.if %cond3A_196 {
        %ge3A = arith.constant 4 : i32
        %ge3A_387 = arith.cmpi sge, %add3A_194, %ge3A : i32
        %convert_element_type3A_388 = arith.extui %ge3A_387 : i1 to i32
        %cond3A_389 = arith.constant 0 : i32
        %cond3A_390 = arith.cmpi ne, %convert_element_type3A_388, %cond3A_389 : i32
        scf.if %cond3A_390 {
          %sub3A = arith.constant 4 : i32
          %sub3A_423 = arith.subi %add3A_194, %sub3A : i32
          %mul3A_424 = arith.constant 2 : i32
          %mul3A_425 = arith.muli %sub3A_423, %mul3A_424 : i32
          %add3A_426 = arith.addi %mul3A_2, %mul3A_425 : i32
          %dma_wait3A_427 = arith.constant 2 : i32
          %dma_wait3A_428 = arith.constant 0 : i32
          %dma_wait3A_429 = arith.constant 0 : i32
          %dma_wait3A_430 = arith.constant 0 : i32
          %dma_wait3A_431 = tpu.memref_slice %arg6[%dma_wait3A_427, %dma_wait3A_428, %dma_wait3A_429, %dma_wait3A_430] : memref<4x2x50x128xf32, #tpu.memory_space<vmem>> -> memref<1x2x50x128xf32, #tpu.memory_space<vmem>>
          %dma_wait3A_432 = tpu.memref_squeeze %dma_wait3A_431 : memref<1x2x50x128xf32, #tpu.memory_space<vmem>> -> memref<2x50x128xf32, #tpu.memory_space<vmem>>
          %dma_wait3A_433 = arith.constant 0 : i32
          %dma_wait3A_434 = arith.constant 0 : i32
          %dma_wait3A_435 = tpu.memref_slice %arg4[%add3A_426, %dma_wait3A_433, %dma_wait3A_434] : memref<4096x50x128xf32, #tpu.memory_space<hbm>> -> memref<2x50x128xf32, #tpu.memory_space<hbm>>
          %dma_wait3A_436 = arith.constant 0 : i32
          %dma_wait3A_437 = arith.constant 0 : i32
          %dma_wait3A_438 = tpu.memref_slice %arg4[%add3A_426, %dma_wait3A_436, %dma_wait3A_437] : memref<4096x50x128xf32, #tpu.memory_space<hbm>> -> memref<2x50x128xf32, #tpu.memory_space<hbm>>
          %dma_wait3A_439 = arith.constant 0 : i32
          %dma_wait3A_440 = arith.constant 0 : i32
          %dma_wait3A_441 = arith.constant 0 : i32
          %dma_wait3A_442 = tpu.memref_slice %arg6[%dma_wait3A_427, %dma_wait3A_439, %dma_wait3A_440, %dma_wait3A_441] : memref<4x2x50x128xf32, #tpu.memory_space<vmem>> -> memref<1x2x50x128xf32, #tpu.memory_space<vmem>>
          %dma_wait3A_443 = tpu.memref_squeeze %dma_wait3A_442 : memref<1x2x50x128xf32, #tpu.memory_space<vmem>> -> memref<2x50x128xf32, #tpu.memory_space<vmem>>
          tpu.wait_dma2 semaphore(%arg13 : memref<!tpu.dma_semaphore, #tpu.memory_space<semaphore_mem>>) src(%dma_wait3A_443 : memref<2x50x128xf32, #tpu.memory_space<vmem>>) dst(%dma_wait3A_438 : memref<2x50x128xf32, #tpu.memory_space<hbm>>)
        } else {
        }
        %mul3A_391 = arith.constant 2 : i32
        %mul3A_392 = arith.muli %add3A_194, %mul3A_391 : i32
        %add3A_393 = arith.constant 0 : i32
        %add3A_394 = arith.addi %mul3A_392, %add3A_393 : i32
        %dma_start3A_395 = arith.constant 2 : i32
        %dma_start3A_396 = arith.constant 0 : i32
        %dma_start3A_397 = arith.constant 0 : i32
        %dma_start3A_398 = arith.constant 0 : i32
        %dma_start3A_399 = tpu.memref_slice %arg6[%dma_start3A_395, %dma_start3A_396, %dma_start3A_397, %dma_start3A_398] : memref<4x2x50x128xf32, #tpu.memory_space<vmem>> -> memref<1x1x50x128xf32, #tpu.memory_space<vmem>>
        %dma_start3A_400 = tpu.memref_squeeze %dma_start3A_399 : memref<1x1x50x128xf32, #tpu.memory_space<vmem>> -> memref<50x128xf32, #tpu.memory_space<vmem>>
        %dma_start3A_401 = arith.constant 0 : i32
        %dma_start3A_402 = tpu.memref_slice %arg5[%add3A_394, %dma_start3A_401] : memref<128x50xi32, #tpu.memory_space<vmem>> -> memref<1x50xi32, #tpu.memory_space<vmem>>
        %dma_start3A_403 = tpu.memref_squeeze %dma_start3A_402 : memref<1x50xi32, #tpu.memory_space<vmem>> -> memref<50xi32, #tpu.memory_space<vmem>>
        %dma_start3A_404 = arith.constant 0 : i32
        %dma_start3A_405 = arith.constant 0 : i32
        %dma_start3A_406 = tpu.memref_slice %arg3[%dma_start3A_404, %dma_start3A_405] : memref<100000x128xf32, #tpu.memory_space<hbm>> -> memref<100000x128xf32, #tpu.memory_space<hbm>>
        tpu.enqueue_indirect_dma source(%dma_start3A_406 : memref<100000x128xf32, #tpu.memory_space<hbm>>) target(%dma_start3A_400 : memref<50x128xf32, #tpu.memory_space<vmem>>) offsets(%dma_start3A_403 : memref<50xi32, #tpu.memory_space<vmem>>) semaphore(%arg9 : memref<!tpu.dma_semaphore, #tpu.memory_space<semaphore_mem>>)
        %mul3A_407 = arith.constant 2 : i32
        %mul3A_408 = arith.muli %add3A_194, %mul3A_407 : i32
        %add3A_409 = arith.constant 1 : i32
        %add3A_410 = arith.addi %mul3A_408, %add3A_409 : i32
        %dma_start3A_411 = arith.constant 2 : i32
        %dma_start3A_412 = arith.constant 1 : i32
        %dma_start3A_413 = arith.constant 0 : i32
        %dma_start3A_414 = arith.constant 0 : i32
        %dma_start3A_415 = tpu.memref_slice %arg6[%dma_start3A_411, %dma_start3A_412, %dma_start3A_413, %dma_start3A_414] : memref<4x2x50x128xf32, #tpu.memory_space<vmem>> -> memref<1x1x50x128xf32, #tpu.memory_space<vmem>>
        %dma_start3A_416 = tpu.memref_squeeze %dma_start3A_415 : memref<1x1x50x128xf32, #tpu.memory_space<vmem>> -> memref<50x128xf32, #tpu.memory_space<vmem>>
        %dma_start3A_417 = arith.constant 0 : i32
        %dma_start3A_418 = tpu.memref_slice %arg5[%add3A_410, %dma_start3A_417] : memref<128x50xi32, #tpu.memory_space<vmem>> -> memref<1x50xi32, #tpu.memory_space<vmem>>
        %dma_start3A_419 = tpu.memref_squeeze %dma_start3A_418 : memref<1x50xi32, #tpu.memory_space<vmem>> -> memref<50xi32, #tpu.memory_space<vmem>>
        %dma_start3A_420 = arith.constant 0 : i32
        %dma_start3A_421 = arith.constant 0 : i32
        %dma_start3A_422 = tpu.memref_slice %arg3[%dma_start3A_420, %dma_start3A_421] : memref<100000x128xf32, #tpu.memory_space<hbm>> -> memref<100000x128xf32, #tpu.memory_space<hbm>>
        tpu.enqueue_indirect_dma source(%dma_start3A_422 : memref<100000x128xf32, #tpu.memory_space<hbm>>) target(%dma_start3A_416 : memref<50x128xf32, #tpu.memory_space<vmem>>) offsets(%dma_start3A_419 : memref<50xi32, #tpu.memory_space<vmem>>) semaphore(%arg9 : memref<!tpu.dma_semaphore, #tpu.memory_space<semaphore_mem>>)
      } else {
      }
      %mul3A_197 = arith.constant 4 : i32
      %mul3A_198 = arith.muli %scan3A_135, %mul3A_197 : i32
      %add3A_199 = arith.constant 1 : i32
      %add3A_200 = arith.addi %mul3A_198, %add3A_199 : i32
      %mul3A_201 = arith.constant 2 : i32
      %mul3A_202 = arith.muli %add3A_200, %mul3A_201 : i32
      %add3A_203 = arith.constant 0 : i32
      %add3A_204 = arith.addi %mul3A_202, %add3A_203 : i32
      %dma_wait3A_205 = arith.constant 1 : i32
      %dma_wait3A_206 = arith.constant 0 : i32
      %dma_wait3A_207 = arith.constant 0 : i32
      %dma_wait3A_208 = arith.constant 0 : i32
      %dma_wait3A_209 = tpu.memref_slice %arg6[%dma_wait3A_205, %dma_wait3A_206, %dma_wait3A_207, %dma_wait3A_208] : memref<4x2x50x128xf32, #tpu.memory_space<vmem>> -> memref<1x1x50x128xf32, #tpu.memory_space<vmem>>
      %dma_wait3A_210 = tpu.memref_squeeze %dma_wait3A_209 : memref<1x1x50x128xf32, #tpu.memory_space<vmem>> -> memref<50x128xf32, #tpu.memory_space<vmem>>
      %dma_wait3A_211 = arith.constant 0 : i32
      %dma_wait3A_212 = tpu.memref_slice %arg5[%add3A_204, %dma_wait3A_211] : memref<128x50xi32, #tpu.memory_space<vmem>> -> memref<1x50xi32, #tpu.memory_space<vmem>>
      %dma_wait3A_213 = tpu.memref_squeeze %dma_wait3A_212 : memref<1x50xi32, #tpu.memory_space<vmem>> -> memref<50xi32, #tpu.memory_space<vmem>>
      %dma_wait3A_214 = arith.constant 0 : i32
      %dma_wait3A_215 = arith.constant 0 : i32
      %dma_wait3A_216 = tpu.memref_slice %arg3[%dma_wait3A_214, %dma_wait3A_215] : memref<100000x128xf32, #tpu.memory_space<hbm>> -> memref<100000x128xf32, #tpu.memory_space<hbm>>
      tpu.wait_indirect_dma semaphore(%arg8 : memref<!tpu.dma_semaphore, #tpu.memory_space<semaphore_mem>>) src(%dma_wait3A_216 : memref<100000x128xf32, #tpu.memory_space<hbm>>) dst(%dma_wait3A_210 : memref<50x128xf32, #tpu.memory_space<vmem>>)
      %mul3A_217 = arith.constant 2 : i32
      %mul3A_218 = arith.muli %add3A_200, %mul3A_217 : i32
      %add3A_219 = arith.constant 1 : i32
      %add3A_220 = arith.addi %mul3A_218, %add3A_219 : i32
      %dma_wait3A_221 = arith.constant 1 : i32
      %dma_wait3A_222 = arith.constant 1 : i32
      %dma_wait3A_223 = arith.constant 0 : i32
      %dma_wait3A_224 = arith.constant 0 : i32
      %dma_wait3A_225 = tpu.memref_slice %arg6[%dma_wait3A_221, %dma_wait3A_222, %dma_wait3A_223, %dma_wait3A_224] : memref<4x2x50x128xf32, #tpu.memory_space<vmem>> -> memref<1x1x50x128xf32, #tpu.memory_space<vmem>>
      %dma_wait3A_226 = tpu.memref_squeeze %dma_wait3A_225 : memref<1x1x50x128xf32, #tpu.memory_space<vmem>> -> memref<50x128xf32, #tpu.memory_space<vmem>>
      %dma_wait3A_227 = arith.constant 0 : i32
      %dma_wait3A_228 = tpu.memref_slice %arg5[%add3A_220, %dma_wait3A_227] : memref<128x50xi32, #tpu.memory_space<vmem>> -> memref<1x50xi32, #tpu.memory_space<vmem>>
      %dma_wait3A_229 = tpu.memref_squeeze %dma_wait3A_228 : memref<1x50xi32, #tpu.memory_space<vmem>> -> memref<50xi32, #tpu.memory_space<vmem>>
      %dma_wait3A_230 = arith.constant 0 : i32
      %dma_wait3A_231 = arith.constant 0 : i32
      %dma_wait3A_232 = tpu.memref_slice %arg3[%dma_wait3A_230, %dma_wait3A_231] : memref<100000x128xf32, #tpu.memory_space<hbm>> -> memref<100000x128xf32, #tpu.memory_space<hbm>>
      tpu.wait_indirect_dma semaphore(%arg8 : memref<!tpu.dma_semaphore, #tpu.memory_space<semaphore_mem>>) src(%dma_wait3A_232 : memref<100000x128xf32, #tpu.memory_space<hbm>>) dst(%dma_wait3A_226 : memref<50x128xf32, #tpu.memory_space<vmem>>)
      %mul3A_233 = arith.constant 2 : i32
      %mul3A_234 = arith.muli %add3A_200, %mul3A_233 : i32
      %add3A_235 = arith.addi %mul3A_2, %mul3A_234 : i32
      %dma_start3A_236 = arith.constant 1 : i32
      %dma_start3A_237 = arith.constant 0 : i32
      %dma_start3A_238 = arith.constant 0 : i32
      %dma_start3A_239 = arith.constant 0 : i32
      %dma_start3A_240 = tpu.memref_slice %arg6[%dma_start3A_236, %dma_start3A_237, %dma_start3A_238, %dma_start3A_239] : memref<4x2x50x128xf32, #tpu.memory_space<vmem>> -> memref<1x2x50x128xf32, #tpu.memory_space<vmem>>
      %dma_start3A_241 = tpu.memref_squeeze %dma_start3A_240 : memref<1x2x50x128xf32, #tpu.memory_space<vmem>> -> memref<2x50x128xf32, #tpu.memory_space<vmem>>
      %dma_start3A_242 = arith.constant 0 : i32
      %dma_start3A_243 = arith.constant 0 : i32
      %dma_start3A_244 = tpu.memref_slice %arg4[%add3A_235, %dma_start3A_242, %dma_start3A_243] : memref<4096x50x128xf32, #tpu.memory_space<hbm>> -> memref<2x50x128xf32, #tpu.memory_space<hbm>>
      %dma_start3A_245 = arith.constant 0 : i32
      %dma_start3A_246 = arith.constant 0 : i32
      %dma_start3A_247 = tpu.memref_slice %arg4[%add3A_235, %dma_start3A_245, %dma_start3A_246] : memref<4096x50x128xf32, #tpu.memory_space<hbm>> -> memref<2x50x128xf32, #tpu.memory_space<hbm>>
      %dma_start3A_248 = arith.constant 0 : i32
      %dma_start3A_249 = arith.constant 0 : i32
      %dma_start3A_250 = arith.constant 0 : i32
      %dma_start3A_251 = tpu.memref_slice %arg6[%dma_start3A_236, %dma_start3A_248, %dma_start3A_249, %dma_start3A_250] : memref<4x2x50x128xf32, #tpu.memory_space<vmem>> -> memref<1x2x50x128xf32, #tpu.memory_space<vmem>>
      %dma_start3A_252 = tpu.memref_squeeze %dma_start3A_251 : memref<1x2x50x128xf32, #tpu.memory_space<vmem>> -> memref<2x50x128xf32, #tpu.memory_space<vmem>>
      tpu.enqueue_dma source(%dma_start3A_252 : memref<2x50x128xf32, #tpu.memory_space<vmem>>) target(%dma_start3A_247 : memref<2x50x128xf32, #tpu.memory_space<hbm>>) target_semaphore(%arg12 : memref<!tpu.dma_semaphore, #tpu.memory_space<semaphore_mem>>)
      %add3A_253 = arith.constant 2 : i32
      %add3A_254 = arith.addi %add3A_200, %add3A_253 : i32
      %lt3A_255 = arith.constant 64 : i32
      %lt3A_256 = arith.cmpi slt, %add3A_254, %lt3A_255 : i32
      %convert_element_type3A_257 = arith.extui %lt3A_256 : i1 to i32
      %cond3A_258 = arith.constant 0 : i32
      %cond3A_259 = arith.cmpi ne, %convert_element_type3A_257, %cond3A_258 : i32
      scf.if %cond3A_259 {
        %ge3A = arith.constant 4 : i32
        %ge3A_387 = arith.cmpi sge, %add3A_254, %ge3A : i32
        %convert_element_type3A_388 = arith.extui %ge3A_387 : i1 to i32
        %cond3A_389 = arith.constant 0 : i32
        %cond3A_390 = arith.cmpi ne, %convert_element_type3A_388, %cond3A_389 : i32
        scf.if %cond3A_390 {
          %sub3A = arith.constant 4 : i32
          %sub3A_423 = arith.subi %add3A_254, %sub3A : i32
          %mul3A_424 = arith.constant 2 : i32
          %mul3A_425 = arith.muli %sub3A_423, %mul3A_424 : i32
          %add3A_426 = arith.addi %mul3A_2, %mul3A_425 : i32
          %dma_wait3A_427 = arith.constant 3 : i32
          %dma_wait3A_428 = arith.constant 0 : i32
          %dma_wait3A_429 = arith.constant 0 : i32
          %dma_wait3A_430 = arith.constant 0 : i32
          %dma_wait3A_431 = tpu.memref_slice %arg6[%dma_wait3A_427, %dma_wait3A_428, %dma_wait3A_429, %dma_wait3A_430] : memref<4x2x50x128xf32, #tpu.memory_space<vmem>> -> memref<1x2x50x128xf32, #tpu.memory_space<vmem>>
          %dma_wait3A_432 = tpu.memref_squeeze %dma_wait3A_431 : memref<1x2x50x128xf32, #tpu.memory_space<vmem>> -> memref<2x50x128xf32, #tpu.memory_space<vmem>>
          %dma_wait3A_433 = arith.constant 0 : i32
          %dma_wait3A_434 = arith.constant 0 : i32
          %dma_wait3A_435 = tpu.memref_slice %arg4[%add3A_426, %dma_wait3A_433, %dma_wait3A_434] : memref<4096x50x128xf32, #tpu.memory_space<hbm>> -> memref<2x50x128xf32, #tpu.memory_space<hbm>>
          %dma_wait3A_436 = arith.constant 0 : i32
          %dma_wait3A_437 = arith.constant 0 : i32
          %dma_wait3A_438 = tpu.memref_slice %arg4[%add3A_426, %dma_wait3A_436, %dma_wait3A_437] : memref<4096x50x128xf32, #tpu.memory_space<hbm>> -> memref<2x50x128xf32, #tpu.memory_space<hbm>>
          %dma_wait3A_439 = arith.constant 0 : i32
          %dma_wait3A_440 = arith.constant 0 : i32
          %dma_wait3A_441 = arith.constant 0 : i32
          %dma_wait3A_442 = tpu.memref_slice %arg6[%dma_wait3A_427, %dma_wait3A_439, %dma_wait3A_440, %dma_wait3A_441] : memref<4x2x50x128xf32, #tpu.memory_space<vmem>> -> memref<1x2x50x128xf32, #tpu.memory_space<vmem>>
          %dma_wait3A_443 = tpu.memref_squeeze %dma_wait3A_442 : memref<1x2x50x128xf32, #tpu.memory_space<vmem>> -> memref<2x50x128xf32, #tpu.memory_space<vmem>>
          tpu.wait_dma2 semaphore(%arg14 : memref<!tpu.dma_semaphore, #tpu.memory_space<semaphore_mem>>) src(%dma_wait3A_443 : memref<2x50x128xf32, #tpu.memory_space<vmem>>) dst(%dma_wait3A_438 : memref<2x50x128xf32, #tpu.memory_space<hbm>>)
        } else {
        }
        %mul3A_391 = arith.constant 2 : i32
        %mul3A_392 = arith.muli %add3A_254, %mul3A_391 : i32
        %add3A_393 = arith.constant 0 : i32
        %add3A_394 = arith.addi %mul3A_392, %add3A_393 : i32
        %dma_start3A_395 = arith.constant 3 : i32
        %dma_start3A_396 = arith.constant 0 : i32
        %dma_start3A_397 = arith.constant 0 : i32
        %dma_start3A_398 = arith.constant 0 : i32
        %dma_start3A_399 = tpu.memref_slice %arg6[%dma_start3A_395, %dma_start3A_396, %dma_start3A_397, %dma_start3A_398] : memref<4x2x50x128xf32, #tpu.memory_space<vmem>> -> memref<1x1x50x128xf32, #tpu.memory_space<vmem>>
        %dma_start3A_400 = tpu.memref_squeeze %dma_start3A_399 : memref<1x1x50x128xf32, #tpu.memory_space<vmem>> -> memref<50x128xf32, #tpu.memory_space<vmem>>
        %dma_start3A_401 = arith.constant 0 : i32
        %dma_start3A_402 = tpu.memref_slice %arg5[%add3A_394, %dma_start3A_401] : memref<128x50xi32, #tpu.memory_space<vmem>> -> memref<1x50xi32, #tpu.memory_space<vmem>>
        %dma_start3A_403 = tpu.memref_squeeze %dma_start3A_402 : memref<1x50xi32, #tpu.memory_space<vmem>> -> memref<50xi32, #tpu.memory_space<vmem>>
        %dma_start3A_404 = arith.constant 0 : i32
        %dma_start3A_405 = arith.constant 0 : i32
        %dma_start3A_406 = tpu.memref_slice %arg3[%dma_start3A_404, %dma_start3A_405] : memref<100000x128xf32, #tpu.memory_space<hbm>> -> memref<100000x128xf32, #tpu.memory_space<hbm>>
        tpu.enqueue_indirect_dma source(%dma_start3A_406 : memref<100000x128xf32, #tpu.memory_space<hbm>>) target(%dma_start3A_400 : memref<50x128xf32, #tpu.memory_space<vmem>>) offsets(%dma_start3A_403 : memref<50xi32, #tpu.memory_space<vmem>>) semaphore(%arg10 : memref<!tpu.dma_semaphore, #tpu.memory_space<semaphore_mem>>)
        %mul3A_407 = arith.constant 2 : i32
        %mul3A_408 = arith.muli %add3A_254, %mul3A_407 : i32
        %add3A_409 = arith.constant 1 : i32
        %add3A_410 = arith.addi %mul3A_408, %add3A_409 : i32
        %dma_start3A_411 = arith.constant 3 : i32
        %dma_start3A_412 = arith.constant 1 : i32
        %dma_start3A_413 = arith.constant 0 : i32
        %dma_start3A_414 = arith.constant 0 : i32
        %dma_start3A_415 = tpu.memref_slice %arg6[%dma_start3A_411, %dma_start3A_412, %dma_start3A_413, %dma_start3A_414] : memref<4x2x50x128xf32, #tpu.memory_space<vmem>> -> memref<1x1x50x128xf32, #tpu.memory_space<vmem>>
        %dma_start3A_416 = tpu.memref_squeeze %dma_start3A_415 : memref<1x1x50x128xf32, #tpu.memory_space<vmem>> -> memref<50x128xf32, #tpu.memory_space<vmem>>
        %dma_start3A_417 = arith.constant 0 : i32
        %dma_start3A_418 = tpu.memref_slice %arg5[%add3A_410, %dma_start3A_417] : memref<128x50xi32, #tpu.memory_space<vmem>> -> memref<1x50xi32, #tpu.memory_space<vmem>>
        %dma_start3A_419 = tpu.memref_squeeze %dma_start3A_418 : memref<1x50xi32, #tpu.memory_space<vmem>> -> memref<50xi32, #tpu.memory_space<vmem>>
        %dma_start3A_420 = arith.constant 0 : i32
        %dma_start3A_421 = arith.constant 0 : i32
        %dma_start3A_422 = tpu.memref_slice %arg3[%dma_start3A_420, %dma_start3A_421] : memref<100000x128xf32, #tpu.memory_space<hbm>> -> memref<100000x128xf32, #tpu.memory_space<hbm>>
        tpu.enqueue_indirect_dma source(%dma_start3A_422 : memref<100000x128xf32, #tpu.memory_space<hbm>>) target(%dma_start3A_416 : memref<50x128xf32, #tpu.memory_space<vmem>>) offsets(%dma_start3A_419 : memref<50xi32, #tpu.memory_space<vmem>>) semaphore(%arg10 : memref<!tpu.dma_semaphore, #tpu.memory_space<semaphore_mem>>)
      } else {
      }
      %mul3A_260 = arith.constant 4 : i32
      %mul3A_261 = arith.muli %scan3A_135, %mul3A_260 : i32
      %add3A_262 = arith.constant 2 : i32
      %add3A_263 = arith.addi %mul3A_261, %add3A_262 : i32
      %mul3A_264 = arith.constant 2 : i32
      %mul3A_265 = arith.muli %add3A_263, %mul3A_264 : i32
      %add3A_266 = arith.constant 0 : i32
      %add3A_267 = arith.addi %mul3A_265, %add3A_266 : i32
      %dma_wait3A_268 = arith.constant 2 : i32
      %dma_wait3A_269 = arith.constant 0 : i32
      %dma_wait3A_270 = arith.constant 0 : i32
      %dma_wait3A_271 = arith.constant 0 : i32
      %dma_wait3A_272 = tpu.memref_slice %arg6[%dma_wait3A_268, %dma_wait3A_269, %dma_wait3A_270, %dma_wait3A_271] : memref<4x2x50x128xf32, #tpu.memory_space<vmem>> -> memref<1x1x50x128xf32, #tpu.memory_space<vmem>>
      %dma_wait3A_273 = tpu.memref_squeeze %dma_wait3A_272 : memref<1x1x50x128xf32, #tpu.memory_space<vmem>> -> memref<50x128xf32, #tpu.memory_space<vmem>>
      %dma_wait3A_274 = arith.constant 0 : i32
      %dma_wait3A_275 = tpu.memref_slice %arg5[%add3A_267, %dma_wait3A_274] : memref<128x50xi32, #tpu.memory_space<vmem>> -> memref<1x50xi32, #tpu.memory_space<vmem>>
      %dma_wait3A_276 = tpu.memref_squeeze %dma_wait3A_275 : memref<1x50xi32, #tpu.memory_space<vmem>> -> memref<50xi32, #tpu.memory_space<vmem>>
      %dma_wait3A_277 = arith.constant 0 : i32
      %dma_wait3A_278 = arith.constant 0 : i32
      %dma_wait3A_279 = tpu.memref_slice %arg3[%dma_wait3A_277, %dma_wait3A_278] : memref<100000x128xf32, #tpu.memory_space<hbm>> -> memref<100000x128xf32, #tpu.memory_space<hbm>>
      tpu.wait_indirect_dma semaphore(%arg9 : memref<!tpu.dma_semaphore, #tpu.memory_space<semaphore_mem>>) src(%dma_wait3A_279 : memref<100000x128xf32, #tpu.memory_space<hbm>>) dst(%dma_wait3A_273 : memref<50x128xf32, #tpu.memory_space<vmem>>)
      %mul3A_280 = arith.constant 2 : i32
      %mul3A_281 = arith.muli %add3A_263, %mul3A_280 : i32
      %add3A_282 = arith.constant 1 : i32
      %add3A_283 = arith.addi %mul3A_281, %add3A_282 : i32
      %dma_wait3A_284 = arith.constant 2 : i32
      %dma_wait3A_285 = arith.constant 1 : i32
      %dma_wait3A_286 = arith.constant 0 : i32
      %dma_wait3A_287 = arith.constant 0 : i32
      %dma_wait3A_288 = tpu.memref_slice %arg6[%dma_wait3A_284, %dma_wait3A_285, %dma_wait3A_286, %dma_wait3A_287] : memref<4x2x50x128xf32, #tpu.memory_space<vmem>> -> memref<1x1x50x128xf32, #tpu.memory_space<vmem>>
      %dma_wait3A_289 = tpu.memref_squeeze %dma_wait3A_288 : memref<1x1x50x128xf32, #tpu.memory_space<vmem>> -> memref<50x128xf32, #tpu.memory_space<vmem>>
      %dma_wait3A_290 = arith.constant 0 : i32
      %dma_wait3A_291 = tpu.memref_slice %arg5[%add3A_283, %dma_wait3A_290] : memref<128x50xi32, #tpu.memory_space<vmem>> -> memref<1x50xi32, #tpu.memory_space<vmem>>
      %dma_wait3A_292 = tpu.memref_squeeze %dma_wait3A_291 : memref<1x50xi32, #tpu.memory_space<vmem>> -> memref<50xi32, #tpu.memory_space<vmem>>
      %dma_wait3A_293 = arith.constant 0 : i32
      %dma_wait3A_294 = arith.constant 0 : i32
      %dma_wait3A_295 = tpu.memref_slice %arg3[%dma_wait3A_293, %dma_wait3A_294] : memref<100000x128xf32, #tpu.memory_space<hbm>> -> memref<100000x128xf32, #tpu.memory_space<hbm>>
      tpu.wait_indirect_dma semaphore(%arg9 : memref<!tpu.dma_semaphore, #tpu.memory_space<semaphore_mem>>) src(%dma_wait3A_295 : memref<100000x128xf32, #tpu.memory_space<hbm>>) dst(%dma_wait3A_289 : memref<50x128xf32, #tpu.memory_space<vmem>>)
      %mul3A_296 = arith.constant 2 : i32
      %mul3A_297 = arith.muli %add3A_263, %mul3A_296 : i32
      %add3A_298 = arith.addi %mul3A_2, %mul3A_297 : i32
      %dma_start3A_299 = arith.constant 2 : i32
      %dma_start3A_300 = arith.constant 0 : i32
      %dma_start3A_301 = arith.constant 0 : i32
      %dma_start3A_302 = arith.constant 0 : i32
      %dma_start3A_303 = tpu.memref_slice %arg6[%dma_start3A_299, %dma_start3A_300, %dma_start3A_301, %dma_start3A_302] : memref<4x2x50x128xf32, #tpu.memory_space<vmem>> -> memref<1x2x50x128xf32, #tpu.memory_space<vmem>>
      %dma_start3A_304 = tpu.memref_squeeze %dma_start3A_303 : memref<1x2x50x128xf32, #tpu.memory_space<vmem>> -> memref<2x50x128xf32, #tpu.memory_space<vmem>>
      %dma_start3A_305 = arith.constant 0 : i32
      %dma_start3A_306 = arith.constant 0 : i32
      %dma_start3A_307 = tpu.memref_slice %arg4[%add3A_298, %dma_start3A_305, %dma_start3A_306] : memref<4096x50x128xf32, #tpu.memory_space<hbm>> -> memref<2x50x128xf32, #tpu.memory_space<hbm>>
      %dma_start3A_308 = arith.constant 0 : i32
      %dma_start3A_309 = arith.constant 0 : i32
      %dma_start3A_310 = tpu.memref_slice %arg4[%add3A_298, %dma_start3A_308, %dma_start3A_309] : memref<4096x50x128xf32, #tpu.memory_space<hbm>> -> memref<2x50x128xf32, #tpu.memory_space<hbm>>
      %dma_start3A_311 = arith.constant 0 : i32
      %dma_start3A_312 = arith.constant 0 : i32
      %dma_start3A_313 = arith.constant 0 : i32
      %dma_start3A_314 = tpu.memref_slice %arg6[%dma_start3A_299, %dma_start3A_311, %dma_start3A_312, %dma_start3A_313] : memref<4x2x50x128xf32, #tpu.memory_space<vmem>> -> memref<1x2x50x128xf32, #tpu.memory_space<vmem>>
      %dma_start3A_315 = tpu.memref_squeeze %dma_start3A_314 : memref<1x2x50x128xf32, #tpu.memory_space<vmem>> -> memref<2x50x128xf32, #tpu.memory_space<vmem>>
      tpu.enqueue_dma source(%dma_start3A_315 : memref<2x50x128xf32, #tpu.memory_space<vmem>>) target(%dma_start3A_310 : memref<2x50x128xf32, #tpu.memory_space<hbm>>) target_semaphore(%arg13 : memref<!tpu.dma_semaphore, #tpu.memory_space<semaphore_mem>>)
      %add3A_316 = arith.constant 2 : i32
      %add3A_317 = arith.addi %add3A_263, %add3A_316 : i32
      %lt3A_318 = arith.constant 64 : i32
      %lt3A_319 = arith.cmpi slt, %add3A_317, %lt3A_318 : i32
      %convert_element_type3A_320 = arith.extui %lt3A_319 : i1 to i32
      %cond3A_321 = arith.constant 0 : i32
      %cond3A_322 = arith.cmpi ne, %convert_element_type3A_320, %cond3A_321 : i32
      scf.if %cond3A_322 {
        %ge3A = arith.constant 4 : i32
        %ge3A_387 = arith.cmpi sge, %add3A_317, %ge3A : i32
        %convert_element_type3A_388 = arith.extui %ge3A_387 : i1 to i32
        %cond3A_389 = arith.constant 0 : i32
        %cond3A_390 = arith.cmpi ne, %convert_element_type3A_388, %cond3A_389 : i32
        scf.if %cond3A_390 {
          %sub3A = arith.constant 4 : i32
          %sub3A_423 = arith.subi %add3A_317, %sub3A : i32
          %mul3A_424 = arith.constant 2 : i32
          %mul3A_425 = arith.muli %sub3A_423, %mul3A_424 : i32
          %add3A_426 = arith.addi %mul3A_2, %mul3A_425 : i32
          %dma_wait3A_427 = arith.constant 0 : i32
          %dma_wait3A_428 = arith.constant 0 : i32
          %dma_wait3A_429 = arith.constant 0 : i32
          %dma_wait3A_430 = arith.constant 0 : i32
          %dma_wait3A_431 = tpu.memref_slice %arg6[%dma_wait3A_427, %dma_wait3A_428, %dma_wait3A_429, %dma_wait3A_430] : memref<4x2x50x128xf32, #tpu.memory_space<vmem>> -> memref<1x2x50x128xf32, #tpu.memory_space<vmem>>
          %dma_wait3A_432 = tpu.memref_squeeze %dma_wait3A_431 : memref<1x2x50x128xf32, #tpu.memory_space<vmem>> -> memref<2x50x128xf32, #tpu.memory_space<vmem>>
          %dma_wait3A_433 = arith.constant 0 : i32
          %dma_wait3A_434 = arith.constant 0 : i32
          %dma_wait3A_435 = tpu.memref_slice %arg4[%add3A_426, %dma_wait3A_433, %dma_wait3A_434] : memref<4096x50x128xf32, #tpu.memory_space<hbm>> -> memref<2x50x128xf32, #tpu.memory_space<hbm>>
          %dma_wait3A_436 = arith.constant 0 : i32
          %dma_wait3A_437 = arith.constant 0 : i32
          %dma_wait3A_438 = tpu.memref_slice %arg4[%add3A_426, %dma_wait3A_436, %dma_wait3A_437] : memref<4096x50x128xf32, #tpu.memory_space<hbm>> -> memref<2x50x128xf32, #tpu.memory_space<hbm>>
          %dma_wait3A_439 = arith.constant 0 : i32
          %dma_wait3A_440 = arith.constant 0 : i32
          %dma_wait3A_441 = arith.constant 0 : i32
          %dma_wait3A_442 = tpu.memref_slice %arg6[%dma_wait3A_427, %dma_wait3A_439, %dma_wait3A_440, %dma_wait3A_441] : memref<4x2x50x128xf32, #tpu.memory_space<vmem>> -> memref<1x2x50x128xf32, #tpu.memory_space<vmem>>
          %dma_wait3A_443 = tpu.memref_squeeze %dma_wait3A_442 : memref<1x2x50x128xf32, #tpu.memory_space<vmem>> -> memref<2x50x128xf32, #tpu.memory_space<vmem>>
          tpu.wait_dma2 semaphore(%arg11 : memref<!tpu.dma_semaphore, #tpu.memory_space<semaphore_mem>>) src(%dma_wait3A_443 : memref<2x50x128xf32, #tpu.memory_space<vmem>>) dst(%dma_wait3A_438 : memref<2x50x128xf32, #tpu.memory_space<hbm>>)
        } else {
        }
        %mul3A_391 = arith.constant 2 : i32
        %mul3A_392 = arith.muli %add3A_317, %mul3A_391 : i32
        %add3A_393 = arith.constant 0 : i32
        %add3A_394 = arith.addi %mul3A_392, %add3A_393 : i32
        %dma_start3A_395 = arith.constant 0 : i32
        %dma_start3A_396 = arith.constant 0 : i32
        %dma_start3A_397 = arith.constant 0 : i32
        %dma_start3A_398 = arith.constant 0 : i32
        %dma_start3A_399 = tpu.memref_slice %arg6[%dma_start3A_395, %dma_start3A_396, %dma_start3A_397, %dma_start3A_398] : memref<4x2x50x128xf32, #tpu.memory_space<vmem>> -> memref<1x1x50x128xf32, #tpu.memory_space<vmem>>
        %dma_start3A_400 = tpu.memref_squeeze %dma_start3A_399 : memref<1x1x50x128xf32, #tpu.memory_space<vmem>> -> memref<50x128xf32, #tpu.memory_space<vmem>>
        %dma_start3A_401 = arith.constant 0 : i32
        %dma_start3A_402 = tpu.memref_slice %arg5[%add3A_394, %dma_start3A_401] : memref<128x50xi32, #tpu.memory_space<vmem>> -> memref<1x50xi32, #tpu.memory_space<vmem>>
        %dma_start3A_403 = tpu.memref_squeeze %dma_start3A_402 : memref<1x50xi32, #tpu.memory_space<vmem>> -> memref<50xi32, #tpu.memory_space<vmem>>
        %dma_start3A_404 = arith.constant 0 : i32
        %dma_start3A_405 = arith.constant 0 : i32
        %dma_start3A_406 = tpu.memref_slice %arg3[%dma_start3A_404, %dma_start3A_405] : memref<100000x128xf32, #tpu.memory_space<hbm>> -> memref<100000x128xf32, #tpu.memory_space<hbm>>
        tpu.enqueue_indirect_dma source(%dma_start3A_406 : memref<100000x128xf32, #tpu.memory_space<hbm>>) target(%dma_start3A_400 : memref<50x128xf32, #tpu.memory_space<vmem>>) offsets(%dma_start3A_403 : memref<50xi32, #tpu.memory_space<vmem>>) semaphore(%arg7 : memref<!tpu.dma_semaphore, #tpu.memory_space<semaphore_mem>>)
        %mul3A_407 = arith.constant 2 : i32
        %mul3A_408 = arith.muli %add3A_317, %mul3A_407 : i32
        %add3A_409 = arith.constant 1 : i32
        %add3A_410 = arith.addi %mul3A_408, %add3A_409 : i32
        %dma_start3A_411 = arith.constant 0 : i32
        %dma_start3A_412 = arith.constant 1 : i32
        %dma_start3A_413 = arith.constant 0 : i32
        %dma_start3A_414 = arith.constant 0 : i32
        %dma_start3A_415 = tpu.memref_slice %arg6[%dma_start3A_411, %dma_start3A_412, %dma_start3A_413, %dma_start3A_414] : memref<4x2x50x128xf32, #tpu.memory_space<vmem>> -> memref<1x1x50x128xf32, #tpu.memory_space<vmem>>
        %dma_start3A_416 = tpu.memref_squeeze %dma_start3A_415 : memref<1x1x50x128xf32, #tpu.memory_space<vmem>> -> memref<50x128xf32, #tpu.memory_space<vmem>>
        %dma_start3A_417 = arith.constant 0 : i32
        %dma_start3A_418 = tpu.memref_slice %arg5[%add3A_410, %dma_start3A_417] : memref<128x50xi32, #tpu.memory_space<vmem>> -> memref<1x50xi32, #tpu.memory_space<vmem>>
        %dma_start3A_419 = tpu.memref_squeeze %dma_start3A_418 : memref<1x50xi32, #tpu.memory_space<vmem>> -> memref<50xi32, #tpu.memory_space<vmem>>
        %dma_start3A_420 = arith.constant 0 : i32
        %dma_start3A_421 = arith.constant 0 : i32
        %dma_start3A_422 = tpu.memref_slice %arg3[%dma_start3A_420, %dma_start3A_421] : memref<100000x128xf32, #tpu.memory_space<hbm>> -> memref<100000x128xf32, #tpu.memory_space<hbm>>
        tpu.enqueue_indirect_dma source(%dma_start3A_422 : memref<100000x128xf32, #tpu.memory_space<hbm>>) target(%dma_start3A_416 : memref<50x128xf32, #tpu.memory_space<vmem>>) offsets(%dma_start3A_419 : memref<50xi32, #tpu.memory_space<vmem>>) semaphore(%arg7 : memref<!tpu.dma_semaphore, #tpu.memory_space<semaphore_mem>>)
      } else {
      }
      %mul3A_323 = arith.constant 4 : i32
      %mul3A_324 = arith.muli %scan3A_135, %mul3A_323 : i32
      %add3A_325 = arith.constant 3 : i32
      %add3A_326 = arith.addi %mul3A_324, %add3A_325 : i32
      %mul3A_327 = arith.constant 2 : i32
      %mul3A_328 = arith.muli %add3A_326, %mul3A_327 : i32
      %add3A_329 = arith.constant 0 : i32
      %add3A_330 = arith.addi %mul3A_328, %add3A_329 : i32
      %dma_wait3A_331 = arith.constant 3 : i32
      %dma_wait3A_332 = arith.constant 0 : i32
      %dma_wait3A_333 = arith.constant 0 : i32
      %dma_wait3A_334 = arith.constant 0 : i32
      %dma_wait3A_335 = tpu.memref_slice %arg6[%dma_wait3A_331, %dma_wait3A_332, %dma_wait3A_333, %dma_wait3A_334] : memref<4x2x50x128xf32, #tpu.memory_space<vmem>> -> memref<1x1x50x128xf32, #tpu.memory_space<vmem>>
      %dma_wait3A_336 = tpu.memref_squeeze %dma_wait3A_335 : memref<1x1x50x128xf32, #tpu.memory_space<vmem>> -> memref<50x128xf32, #tpu.memory_space<vmem>>
      %dma_wait3A_337 = arith.constant 0 : i32
      %dma_wait3A_338 = tpu.memref_slice %arg5[%add3A_330, %dma_wait3A_337] : memref<128x50xi32, #tpu.memory_space<vmem>> -> memref<1x50xi32, #tpu.memory_space<vmem>>
      %dma_wait3A_339 = tpu.memref_squeeze %dma_wait3A_338 : memref<1x50xi32, #tpu.memory_space<vmem>> -> memref<50xi32, #tpu.memory_space<vmem>>
      %dma_wait3A_340 = arith.constant 0 : i32
      %dma_wait3A_341 = arith.constant 0 : i32
      %dma_wait3A_342 = tpu.memref_slice %arg3[%dma_wait3A_340, %dma_wait3A_341] : memref<100000x128xf32, #tpu.memory_space<hbm>> -> memref<100000x128xf32, #tpu.memory_space<hbm>>
      tpu.wait_indirect_dma semaphore(%arg10 : memref<!tpu.dma_semaphore, #tpu.memory_space<semaphore_mem>>) src(%dma_wait3A_342 : memref<100000x128xf32, #tpu.memory_space<hbm>>) dst(%dma_wait3A_336 : memref<50x128xf32, #tpu.memory_space<vmem>>)
      %mul3A_343 = arith.constant 2 : i32
      %mul3A_344 = arith.muli %add3A_326, %mul3A_343 : i32
      %add3A_345 = arith.constant 1 : i32
      %add3A_346 = arith.addi %mul3A_344, %add3A_345 : i32
      %dma_wait3A_347 = arith.constant 3 : i32
      %dma_wait3A_348 = arith.constant 1 : i32
      %dma_wait3A_349 = arith.constant 0 : i32
      %dma_wait3A_350 = arith.constant 0 : i32
      %dma_wait3A_351 = tpu.memref_slice %arg6[%dma_wait3A_347, %dma_wait3A_348, %dma_wait3A_349, %dma_wait3A_350] : memref<4x2x50x128xf32, #tpu.memory_space<vmem>> -> memref<1x1x50x128xf32, #tpu.memory_space<vmem>>
      %dma_wait3A_352 = tpu.memref_squeeze %dma_wait3A_351 : memref<1x1x50x128xf32, #tpu.memory_space<vmem>> -> memref<50x128xf32, #tpu.memory_space<vmem>>
      %dma_wait3A_353 = arith.constant 0 : i32
      %dma_wait3A_354 = tpu.memref_slice %arg5[%add3A_346, %dma_wait3A_353] : memref<128x50xi32, #tpu.memory_space<vmem>> -> memref<1x50xi32, #tpu.memory_space<vmem>>
      %dma_wait3A_355 = tpu.memref_squeeze %dma_wait3A_354 : memref<1x50xi32, #tpu.memory_space<vmem>> -> memref<50xi32, #tpu.memory_space<vmem>>
      %dma_wait3A_356 = arith.constant 0 : i32
      %dma_wait3A_357 = arith.constant 0 : i32
      %dma_wait3A_358 = tpu.memref_slice %arg3[%dma_wait3A_356, %dma_wait3A_357] : memref<100000x128xf32, #tpu.memory_space<hbm>> -> memref<100000x128xf32, #tpu.memory_space<hbm>>
      tpu.wait_indirect_dma semaphore(%arg10 : memref<!tpu.dma_semaphore, #tpu.memory_space<semaphore_mem>>) src(%dma_wait3A_358 : memref<100000x128xf32, #tpu.memory_space<hbm>>) dst(%dma_wait3A_352 : memref<50x128xf32, #tpu.memory_space<vmem>>)
      %mul3A_359 = arith.constant 2 : i32
      %mul3A_360 = arith.muli %add3A_326, %mul3A_359 : i32
      %add3A_361 = arith.addi %mul3A_2, %mul3A_360 : i32
      %dma_start3A_362 = arith.constant 3 : i32
      %dma_start3A_363 = arith.constant 0 : i32
      %dma_start3A_364 = arith.constant 0 : i32
      %dma_start3A_365 = arith.constant 0 : i32
      %dma_start3A_366 = tpu.memref_slice %arg6[%dma_start3A_362, %dma_start3A_363, %dma_start3A_364, %dma_start3A_365] : memref<4x2x50x128xf32, #tpu.memory_space<vmem>> -> memref<1x2x50x128xf32, #tpu.memory_space<vmem>>
      %dma_start3A_367 = tpu.memref_squeeze %dma_start3A_366 : memref<1x2x50x128xf32, #tpu.memory_space<vmem>> -> memref<2x50x128xf32, #tpu.memory_space<vmem>>
      %dma_start3A_368 = arith.constant 0 : i32
      %dma_start3A_369 = arith.constant 0 : i32
      %dma_start3A_370 = tpu.memref_slice %arg4[%add3A_361, %dma_start3A_368, %dma_start3A_369] : memref<4096x50x128xf32, #tpu.memory_space<hbm>> -> memref<2x50x128xf32, #tpu.memory_space<hbm>>
      %dma_start3A_371 = arith.constant 0 : i32
      %dma_start3A_372 = arith.constant 0 : i32
      %dma_start3A_373 = tpu.memref_slice %arg4[%add3A_361, %dma_start3A_371, %dma_start3A_372] : memref<4096x50x128xf32, #tpu.memory_space<hbm>> -> memref<2x50x128xf32, #tpu.memory_space<hbm>>
      %dma_start3A_374 = arith.constant 0 : i32
      %dma_start3A_375 = arith.constant 0 : i32
      %dma_start3A_376 = arith.constant 0 : i32
      %dma_start3A_377 = tpu.memref_slice %arg6[%dma_start3A_362, %dma_start3A_374, %dma_start3A_375, %dma_start3A_376] : memref<4x2x50x128xf32, #tpu.memory_space<vmem>> -> memref<1x2x50x128xf32, #tpu.memory_space<vmem>>
      %dma_start3A_378 = tpu.memref_squeeze %dma_start3A_377 : memref<1x2x50x128xf32, #tpu.memory_space<vmem>> -> memref<2x50x128xf32, #tpu.memory_space<vmem>>
      tpu.enqueue_dma source(%dma_start3A_378 : memref<2x50x128xf32, #tpu.memory_space<vmem>>) target(%dma_start3A_373 : memref<2x50x128xf32, #tpu.memory_space<hbm>>) target_semaphore(%arg14 : memref<!tpu.dma_semaphore, #tpu.memory_space<semaphore_mem>>)
      %add3A_379 = arith.constant 2 : i32
      %add3A_380 = arith.addi %add3A_326, %add3A_379 : i32
      %lt3A_381 = arith.constant 64 : i32
      %lt3A_382 = arith.cmpi slt, %add3A_380, %lt3A_381 : i32
      %convert_element_type3A_383 = arith.extui %lt3A_382 : i1 to i32
      %cond3A_384 = arith.constant 0 : i32
      %cond3A_385 = arith.cmpi ne, %convert_element_type3A_383, %cond3A_384 : i32
      scf.if %cond3A_385 {
        %ge3A = arith.constant 4 : i32
        %ge3A_387 = arith.cmpi sge, %add3A_380, %ge3A : i32
        %convert_element_type3A_388 = arith.extui %ge3A_387 : i1 to i32
        %cond3A_389 = arith.constant 0 : i32
        %cond3A_390 = arith.cmpi ne, %convert_element_type3A_388, %cond3A_389 : i32
        scf.if %cond3A_390 {
          %sub3A = arith.constant 4 : i32
          %sub3A_423 = arith.subi %add3A_380, %sub3A : i32
          %mul3A_424 = arith.constant 2 : i32
          %mul3A_425 = arith.muli %sub3A_423, %mul3A_424 : i32
          %add3A_426 = arith.addi %mul3A_2, %mul3A_425 : i32
          %dma_wait3A_427 = arith.constant 1 : i32
          %dma_wait3A_428 = arith.constant 0 : i32
          %dma_wait3A_429 = arith.constant 0 : i32
          %dma_wait3A_430 = arith.constant 0 : i32
          %dma_wait3A_431 = tpu.memref_slice %arg6[%dma_wait3A_427, %dma_wait3A_428, %dma_wait3A_429, %dma_wait3A_430] : memref<4x2x50x128xf32, #tpu.memory_space<vmem>> -> memref<1x2x50x128xf32, #tpu.memory_space<vmem>>
          %dma_wait3A_432 = tpu.memref_squeeze %dma_wait3A_431 : memref<1x2x50x128xf32, #tpu.memory_space<vmem>> -> memref<2x50x128xf32, #tpu.memory_space<vmem>>
          %dma_wait3A_433 = arith.constant 0 : i32
          %dma_wait3A_434 = arith.constant 0 : i32
          %dma_wait3A_435 = tpu.memref_slice %arg4[%add3A_426, %dma_wait3A_433, %dma_wait3A_434] : memref<4096x50x128xf32, #tpu.memory_space<hbm>> -> memref<2x50x128xf32, #tpu.memory_space<hbm>>
          %dma_wait3A_436 = arith.constant 0 : i32
          %dma_wait3A_437 = arith.constant 0 : i32
          %dma_wait3A_438 = tpu.memref_slice %arg4[%add3A_426, %dma_wait3A_436, %dma_wait3A_437] : memref<4096x50x128xf32, #tpu.memory_space<hbm>> -> memref<2x50x128xf32, #tpu.memory_space<hbm>>
          %dma_wait3A_439 = arith.constant 0 : i32
          %dma_wait3A_440 = arith.constant 0 : i32
          %dma_wait3A_441 = arith.constant 0 : i32
          %dma_wait3A_442 = tpu.memref_slice %arg6[%dma_wait3A_427, %dma_wait3A_439, %dma_wait3A_440, %dma_wait3A_441] : memref<4x2x50x128xf32, #tpu.memory_space<vmem>> -> memref<1x2x50x128xf32, #tpu.memory_space<vmem>>
          %dma_wait3A_443 = tpu.memref_squeeze %dma_wait3A_442 : memref<1x2x50x128xf32, #tpu.memory_space<vmem>> -> memref<2x50x128xf32, #tpu.memory_space<vmem>>
          tpu.wait_dma2 semaphore(%arg12 : memref<!tpu.dma_semaphore, #tpu.memory_space<semaphore_mem>>) src(%dma_wait3A_443 : memref<2x50x128xf32, #tpu.memory_space<vmem>>) dst(%dma_wait3A_438 : memref<2x50x128xf32, #tpu.memory_space<hbm>>)
        } else {
        }
        %mul3A_391 = arith.constant 2 : i32
        %mul3A_392 = arith.muli %add3A_380, %mul3A_391 : i32
        %add3A_393 = arith.constant 0 : i32
        %add3A_394 = arith.addi %mul3A_392, %add3A_393 : i32
        %dma_start3A_395 = arith.constant 1 : i32
        %dma_start3A_396 = arith.constant 0 : i32
        %dma_start3A_397 = arith.constant 0 : i32
        %dma_start3A_398 = arith.constant 0 : i32
        %dma_start3A_399 = tpu.memref_slice %arg6[%dma_start3A_395, %dma_start3A_396, %dma_start3A_397, %dma_start3A_398] : memref<4x2x50x128xf32, #tpu.memory_space<vmem>> -> memref<1x1x50x128xf32, #tpu.memory_space<vmem>>
        %dma_start3A_400 = tpu.memref_squeeze %dma_start3A_399 : memref<1x1x50x128xf32, #tpu.memory_space<vmem>> -> memref<50x128xf32, #tpu.memory_space<vmem>>
        %dma_start3A_401 = arith.constant 0 : i32
        %dma_start3A_402 = tpu.memref_slice %arg5[%add3A_394, %dma_start3A_401] : memref<128x50xi32, #tpu.memory_space<vmem>> -> memref<1x50xi32, #tpu.memory_space<vmem>>
        %dma_start3A_403 = tpu.memref_squeeze %dma_start3A_402 : memref<1x50xi32, #tpu.memory_space<vmem>> -> memref<50xi32, #tpu.memory_space<vmem>>
        %dma_start3A_404 = arith.constant 0 : i32
        %dma_start3A_405 = arith.constant 0 : i32
        %dma_start3A_406 = tpu.memref_slice %arg3[%dma_start3A_404, %dma_start3A_405] : memref<100000x128xf32, #tpu.memory_space<hbm>> -> memref<100000x128xf32, #tpu.memory_space<hbm>>
        tpu.enqueue_indirect_dma source(%dma_start3A_406 : memref<100000x128xf32, #tpu.memory_space<hbm>>) target(%dma_start3A_400 : memref<50x128xf32, #tpu.memory_space<vmem>>) offsets(%dma_start3A_403 : memref<50xi32, #tpu.memory_space<vmem>>) semaphore(%arg8 : memref<!tpu.dma_semaphore, #tpu.memory_space<semaphore_mem>>)
        %mul3A_407 = arith.constant 2 : i32
        %mul3A_408 = arith.muli %add3A_380, %mul3A_407 : i32
        %add3A_409 = arith.constant 1 : i32
        %add3A_410 = arith.addi %mul3A_408, %add3A_409 : i32
        %dma_start3A_411 = arith.constant 1 : i32
        %dma_start3A_412 = arith.constant 1 : i32
        %dma_start3A_413 = arith.constant 0 : i32
        %dma_start3A_414 = arith.constant 0 : i32
        %dma_start3A_415 = tpu.memref_slice %arg6[%dma_start3A_411, %dma_start3A_412, %dma_start3A_413, %dma_start3A_414] : memref<4x2x50x128xf32, #tpu.memory_space<vmem>> -> memref<1x1x50x128xf32, #tpu.memory_space<vmem>>
        %dma_start3A_416 = tpu.memref_squeeze %dma_start3A_415 : memref<1x1x50x128xf32, #tpu.memory_space<vmem>> -> memref<50x128xf32, #tpu.memory_space<vmem>>
        %dma_start3A_417 = arith.constant 0 : i32
        %dma_start3A_418 = tpu.memref_slice %arg5[%add3A_410, %dma_start3A_417] : memref<128x50xi32, #tpu.memory_space<vmem>> -> memref<1x50xi32, #tpu.memory_space<vmem>>
        %dma_start3A_419 = tpu.memref_squeeze %dma_start3A_418 : memref<1x50xi32, #tpu.memory_space<vmem>> -> memref<50xi32, #tpu.memory_space<vmem>>
        %dma_start3A_420 = arith.constant 0 : i32
        %dma_start3A_421 = arith.constant 0 : i32
        %dma_start3A_422 = tpu.memref_slice %arg3[%dma_start3A_420, %dma_start3A_421] : memref<100000x128xf32, #tpu.memory_space<hbm>> -> memref<100000x128xf32, #tpu.memory_space<hbm>>
        tpu.enqueue_indirect_dma source(%dma_start3A_422 : memref<100000x128xf32, #tpu.memory_space<hbm>>) target(%dma_start3A_416 : memref<50x128xf32, #tpu.memory_space<vmem>>) offsets(%dma_start3A_419 : memref<50xi32, #tpu.memory_space<vmem>>) semaphore(%arg8 : memref<!tpu.dma_semaphore, #tpu.memory_space<semaphore_mem>>)
      } else {
      }
      %scan3A_386 = arith.constant 0 : i32
      scf.yield %scan3A_386 : i32
    }
    %scan3A_59 = arith.constant 16 : i32
    %add3A_60 = arith.constant 120 : i32
    %add3A_61 = arith.addi %mul3A_2, %add3A_60 : i32
    %dma_wait3A = arith.constant 0 : i32
    %dma_wait3A_62 = arith.constant 0 : i32
    %dma_wait3A_63 = arith.constant 0 : i32
    %dma_wait3A_64 = arith.constant 0 : i32
    %dma_wait3A_65 = tpu.memref_slice %arg6[%dma_wait3A, %dma_wait3A_62, %dma_wait3A_63, %dma_wait3A_64] : memref<4x2x50x128xf32, #tpu.memory_space<vmem>> -> memref<1x2x50x128xf32, #tpu.memory_space<vmem>>
    %dma_wait3A_66 = tpu.memref_squeeze %dma_wait3A_65 : memref<1x2x50x128xf32, #tpu.memory_space<vmem>> -> memref<2x50x128xf32, #tpu.memory_space<vmem>>
    %dma_wait3A_67 = arith.constant 0 : i32
    %dma_wait3A_68 = arith.constant 0 : i32
    %dma_wait3A_69 = tpu.memref_slice %arg4[%add3A_61, %dma_wait3A_67, %dma_wait3A_68] : memref<4096x50x128xf32, #tpu.memory_space<hbm>> -> memref<2x50x128xf32, #tpu.memory_space<hbm>>
    %dma_wait3A_70 = arith.constant 0 : i32
    %dma_wait3A_71 = arith.constant 0 : i32
    %dma_wait3A_72 = tpu.memref_slice %arg4[%add3A_61, %dma_wait3A_70, %dma_wait3A_71] : memref<4096x50x128xf32, #tpu.memory_space<hbm>> -> memref<2x50x128xf32, #tpu.memory_space<hbm>>
    %dma_wait3A_73 = arith.constant 0 : i32
    %dma_wait3A_74 = arith.constant 0 : i32
    %dma_wait3A_75 = arith.constant 0 : i32
    %dma_wait3A_76 = tpu.memref_slice %arg6[%dma_wait3A, %dma_wait3A_73, %dma_wait3A_74, %dma_wait3A_75] : memref<4x2x50x128xf32, #tpu.memory_space<vmem>> -> memref<1x2x50x128xf32, #tpu.memory_space<vmem>>
    %dma_wait3A_77 = tpu.memref_squeeze %dma_wait3A_76 : memref<1x2x50x128xf32, #tpu.memory_space<vmem>> -> memref<2x50x128xf32, #tpu.memory_space<vmem>>
    tpu.wait_dma2 semaphore(%arg11 : memref<!tpu.dma_semaphore, #tpu.memory_space<semaphore_mem>>) src(%dma_wait3A_77 : memref<2x50x128xf32, #tpu.memory_space<vmem>>) dst(%dma_wait3A_72 : memref<2x50x128xf32, #tpu.memory_space<hbm>>)
    %add3A_78 = arith.constant 122 : i32
    %add3A_79 = arith.addi %mul3A_2, %add3A_78 : i32
    %dma_wait3A_80 = arith.constant 1 : i32
    %dma_wait3A_81 = arith.constant 0 : i32
    %dma_wait3A_82 = arith.constant 0 : i32
    %dma_wait3A_83 = arith.constant 0 : i32
    %dma_wait3A_84 = tpu.memref_slice %arg6[%dma_wait3A_80, %dma_wait3A_81, %dma_wait3A_82, %dma_wait3A_83] : memref<4x2x50x128xf32, #tpu.memory_space<vmem>> -> memref<1x2x50x128xf32, #tpu.memory_space<vmem>>
    %dma_wait3A_85 = tpu.memref_squeeze %dma_wait3A_84 : memref<1x2x50x128xf32, #tpu.memory_space<vmem>> -> memref<2x50x128xf32, #tpu.memory_space<vmem>>
    %dma_wait3A_86 = arith.constant 0 : i32
    %dma_wait3A_87 = arith.constant 0 : i32
    %dma_wait3A_88 = tpu.memref_slice %arg4[%add3A_79, %dma_wait3A_86, %dma_wait3A_87] : memref<4096x50x128xf32, #tpu.memory_space<hbm>> -> memref<2x50x128xf32, #tpu.memory_space<hbm>>
    %dma_wait3A_89 = arith.constant 0 : i32
    %dma_wait3A_90 = arith.constant 0 : i32
    %dma_wait3A_91 = tpu.memref_slice %arg4[%add3A_79, %dma_wait3A_89, %dma_wait3A_90] : memref<4096x50x128xf32, #tpu.memory_space<hbm>> -> memref<2x50x128xf32, #tpu.memory_space<hbm>>
    %dma_wait3A_92 = arith.constant 0 : i32
    %dma_wait3A_93 = arith.constant 0 : i32
    %dma_wait3A_94 = arith.constant 0 : i32
    %dma_wait3A_95 = tpu.memref_slice %arg6[%dma_wait3A_80, %dma_wait3A_92, %dma_wait3A_93, %dma_wait3A_94] : memref<4x2x50x128xf32, #tpu.memory_space<vmem>> -> memref<1x2x50x128xf32, #tpu.memory_space<vmem>>
    %dma_wait3A_96 = tpu.memref_squeeze %dma_wait3A_95 : memref<1x2x50x128xf32, #tpu.memory_space<vmem>> -> memref<2x50x128xf32, #tpu.memory_space<vmem>>
    tpu.wait_dma2 semaphore(%arg12 : memref<!tpu.dma_semaphore, #tpu.memory_space<semaphore_mem>>) src(%dma_wait3A_96 : memref<2x50x128xf32, #tpu.memory_space<vmem>>) dst(%dma_wait3A_91 : memref<2x50x128xf32, #tpu.memory_space<hbm>>)
    %add3A_97 = arith.constant 124 : i32
    %add3A_98 = arith.addi %mul3A_2, %add3A_97 : i32
    %dma_wait3A_99 = arith.constant 2 : i32
    %dma_wait3A_100 = arith.constant 0 : i32
    %dma_wait3A_101 = arith.constant 0 : i32
    %dma_wait3A_102 = arith.constant 0 : i32
    %dma_wait3A_103 = tpu.memref_slice %arg6[%dma_wait3A_99, %dma_wait3A_100, %dma_wait3A_101, %dma_wait3A_102] : memref<4x2x50x128xf32, #tpu.memory_space<vmem>> -> memref<1x2x50x128xf32, #tpu.memory_space<vmem>>
    %dma_wait3A_104 = tpu.memref_squeeze %dma_wait3A_103 : memref<1x2x50x128xf32, #tpu.memory_space<vmem>> -> memref<2x50x128xf32, #tpu.memory_space<vmem>>
    %dma_wait3A_105 = arith.constant 0 : i32
    %dma_wait3A_106 = arith.constant 0 : i32
    %dma_wait3A_107 = tpu.memref_slice %arg4[%add3A_98, %dma_wait3A_105, %dma_wait3A_106] : memref<4096x50x128xf32, #tpu.memory_space<hbm>> -> memref<2x50x128xf32, #tpu.memory_space<hbm>>
    %dma_wait3A_108 = arith.constant 0 : i32
    %dma_wait3A_109 = arith.constant 0 : i32
    %dma_wait3A_110 = tpu.memref_slice %arg4[%add3A_98, %dma_wait3A_108, %dma_wait3A_109] : memref<4096x50x128xf32, #tpu.memory_space<hbm>> -> memref<2x50x128xf32, #tpu.memory_space<hbm>>
    %dma_wait3A_111 = arith.constant 0 : i32
    %dma_wait3A_112 = arith.constant 0 : i32
    %dma_wait3A_113 = arith.constant 0 : i32
    %dma_wait3A_114 = tpu.memref_slice %arg6[%dma_wait3A_99, %dma_wait3A_111, %dma_wait3A_112, %dma_wait3A_113] : memref<4x2x50x128xf32, #tpu.memory_space<vmem>> -> memref<1x2x50x128xf32, #tpu.memory_space<vmem>>
    %dma_wait3A_115 = tpu.memref_squeeze %dma_wait3A_114 : memref<1x2x50x128xf32, #tpu.memory_space<vmem>> -> memref<2x50x128xf32, #tpu.memory_space<vmem>>
    tpu.wait_dma2 semaphore(%arg13 : memref<!tpu.dma_semaphore, #tpu.memory_space<semaphore_mem>>) src(%dma_wait3A_115 : memref<2x50x128xf32, #tpu.memory_space<vmem>>) dst(%dma_wait3A_110 : memref<2x50x128xf32, #tpu.memory_space<hbm>>)
    %add3A_116 = arith.constant 126 : i32
    %add3A_117 = arith.addi %mul3A_2, %add3A_116 : i32
    %dma_wait3A_118 = arith.constant 3 : i32
    %dma_wait3A_119 = arith.constant 0 : i32
    %dma_wait3A_120 = arith.constant 0 : i32
    %dma_wait3A_121 = arith.constant 0 : i32
    %dma_wait3A_122 = tpu.memref_slice %arg6[%dma_wait3A_118, %dma_wait3A_119, %dma_wait3A_120, %dma_wait3A_121] : memref<4x2x50x128xf32, #tpu.memory_space<vmem>> -> memref<1x2x50x128xf32, #tpu.memory_space<vmem>>
    %dma_wait3A_123 = tpu.memref_squeeze %dma_wait3A_122 : memref<1x2x50x128xf32, #tpu.memory_space<vmem>> -> memref<2x50x128xf32, #tpu.memory_space<vmem>>
    %dma_wait3A_124 = arith.constant 0 : i32
    %dma_wait3A_125 = arith.constant 0 : i32
    %dma_wait3A_126 = tpu.memref_slice %arg4[%add3A_117, %dma_wait3A_124, %dma_wait3A_125] : memref<4096x50x128xf32, #tpu.memory_space<hbm>> -> memref<2x50x128xf32, #tpu.memory_space<hbm>>
    %dma_wait3A_127 = arith.constant 0 : i32
    %dma_wait3A_128 = arith.constant 0 : i32
    %dma_wait3A_129 = tpu.memref_slice %arg4[%add3A_117, %dma_wait3A_127, %dma_wait3A_128] : memref<4096x50x128xf32, #tpu.memory_space<hbm>> -> memref<2x50x128xf32, #tpu.memory_space<hbm>>
    %dma_wait3A_130 = arith.constant 0 : i32
    %dma_wait3A_131 = arith.constant 0 : i32
    %dma_wait3A_132 = arith.constant 0 : i32
    %dma_wait3A_133 = tpu.memref_slice %arg6[%dma_wait3A_118, %dma_wait3A_130, %dma_wait3A_131, %dma_wait3A_132] : memref<4x2x50x128xf32, #tpu.memory_space<vmem>> -> memref<1x2x50x128xf32, #tpu.memory_space<vmem>>
    %dma_wait3A_134 = tpu.memref_squeeze %dma_wait3A_133 : memref<1x2x50x128xf32, #tpu.memory_space<vmem>> -> memref<2x50x128xf32, #tpu.memory_space<vmem>>
    tpu.wait_dma2 semaphore(%arg14 : memref<!tpu.dma_semaphore, #tpu.memory_space<semaphore_mem>>) src(%dma_wait3A_134 : memref<2x50x128xf32, #tpu.memory_space<vmem>>) dst(%dma_wait3A_129 : memref<2x50x128xf32, #tpu.memory_space<hbm>>)
    return
  }
}

</mosaic_0001>

<sc_bundles>
// kernel: kernel.3.cloned.1.call-start
scs
__scs_entry_jumppad:
0x0: {  	(pc) =	sbr.rel $0x88, $3  }
0x1: {  	(tag) =	ssettag $0x0;
	lr =	simm.s32 $0x1  }
0x2: {  	[smem:$0x3F9F] =	sst lr;
	_ =	strace $0xD0000000  }
0x3: {  	_ = 	snop  }
0x4: {  	_ = 	snop  }
0x5: {  	_ = 	snop  }
0x6: {  	_ = 	snop  }
0x7: {  	_ = 	snop  }
__scs_overlays_trampoline_lowered:
0x8: {  	[smem:$0x3FAE] =	sst s0  }
0x9: {  	[smem:$0x3FAF] =	sst s1  }
0xa: {  	[smem:$0x3FB0] =	sst s2  }
0xb: {  	[smem:$0x3FB1] =	sst s3  }
0xc: {  	[smem:$0x3FB2] =	sst s4  }
0xd: {  	[smem:$0x3FB3] =	sst s5  }
0xe: {  	[smem:$0x3FB4] =	sst s6  }
0xf: {  	[smem:$0x3FB5] =	sst s7  }
0x10: {  	[smem:$0x3FB6] =	sst s8  }
0x11: {  	[smem:$0x3FB7] =	sst s9;
	s0 =	simm.s32 @!p0 $0x0  }
0x12: {  	s1 =	sld [smem:$0x3F9D];
	s0 =	simm.s32 @p0 $0x1  }
0x13: {  	[smem:$0x3FB8] =	sst s0;
	s0 =	simm.s32 @!p1 $0x0  }
0x14: {  	s2 =	sld [smem:$0x3F9C];
	s0 =	simm.s32 @p1 $0x1  }
0x15: {  	[smem:$0x3FB9] =	sst s0;
	s0 =	simm.s32 @!p2 $0x0  }
0x16: {  	s3 =	sld [smem:$0x3FDB];
	s0 =	simm.s32 @p2 $0x1  }
0x17: {  	s4 =	simm.s32 $0x1BF5;
	[smem:$0x3FBB] =	sst s0  }
0x18: {  	s0 =	sld [smem:$0x3F9E];
	_ =	swait.ge [sflag:s4], $0x0  }
0x19: {  	s7 =	sld [smem:$0x3F9F]  }
0x1a: {  	s8 =	sadd.s32 $0xFFFFE003, lr  }
0x1b: {  	s9 =	sadd.s32 $0xFFFFFEF7, lr;
	s5 =	simm.s32 $0xFFFFFFFF;
	p2 =	slt.u32 s8, $0xFFFFF086  }
0x1c: {  	p1 =	slt.u32 s9, $0xF7A;
	s5 =	simm.s32 @!p2 $0x0  }
0x1d: {  	s5 =	simm.s32 @p1 $0x1;
	p0 =	seq.s32 s7, s2  }
0x1e: {  	s7 =	smul.u32 @!p0 $0xF7A, s2;
	p2 =	seq.s32 @!p0 s5, $0x0  }
0x1f: {  	s9 =	smul.u32 $0xF7A, s1;
	s8 =	simm.s32 @!p0 $0x1BF5;
	p2 =	por !p2, p0  }
0x20: {  	[sflag:s8] =	ssyncset.s32 @!p0 $0xFFFFF086;
	s6 =	sadd.s32 @!p0 s3, s7;
	s7 =	simm.s32 @!p0 $0x108  }
0x21: {  	s3 =	sadd.s32 s3, s9;
	s6 =	sadd.s32 @!p0 $0x88, s6;
	s7 =	simm.s32 @p2 $0x1082  }
0x22: {  	[simem:s7], [sflag:s8] =	dma.local @!p0 [hbm:s6], $0xF7A  }
0x23: {  	s9 =	sor.u32 $0xD0000000, s2;
	s6 =	simm.s32 $0x108;
	_ =	swait.ge @!p0 [sflag:s8], $0x0  }
0x24: {  	s3 =	sadd.s32 $0x88, s3;
	s6 =	simm.s32 @!p1 $0x1082;
	[sflag:s4] =	ssyncset.s32 $0xFFFFF086  }
0x25: {  	[simem:s6], [sflag:s4] =	dma.local [hbm:s3], $0xF7A  }
0x26: {  	[smem:$0x3F9F] =	sst s1;
	(tag) =	ssettag s2;
	_ =	strace s9  }
0x27: {  	s1 =	sld [smem:$0x3FAF]  }
0x28: {  	s2 =	sld [smem:$0x3FB0]  }
0x29: {  	s4 =	sld [smem:$0x3FB2]  }
0x2a: {  	p0 =	seq.s32 s5, $0x0;
	s5 =	sld [smem:$0x3FB3]  }
0x2b: {  	s6 =	sld [smem:$0x3FB4]  }
0x2c: {  	s7 =	sld [smem:$0x3FB5]  }
0x2d: {  	s3 =	simm.s32 $0x108;
	s8 =	sld [smem:$0x3FB6]  }
0x2e: {  	s3 =	simm.s32 @!p0 $0x1082;
	s9 =	sld [smem:$0x3FB7]  }
0x2f: {  	lr =	sadd.s32 s0, s3;
	s0 =	sld [smem:$0x3FAE]  }
0x30: {  	s3 =	sld [smem:$0x3FB1]  }
0x31: {  	[smem:$0x3FBA] =	sst s10  }
0x32: {  	s10 =	sld [smem:$0x3FB8];
	_ =	sdelay $0x3  }
0x33: {  	p0 =	seq.s32 s10, $0x1;
	s10 =	sld [smem:$0x3FBA];
	_ =	sdelay $0x3  }
0x34: {  	[smem:$0x3FBA] =	sst s10  }
0x35: {  	s10 =	sld [smem:$0x3FB9];
	_ =	sdelay $0x3  }
0x36: {  	p1 =	seq.s32 s10, $0x1;
	s10 =	sld [smem:$0x3FBA];
	_ =	sdelay $0x3  }
0x37: {  	[smem:$0x3FBA] =	sst s10  }
0x38: {  	s10 =	sld [smem:$0x3FBB]  }
0x39: {  	_ = 	snop;
	(pc) =	sbr.ind lr, $3  }
0x3a: {  	_ = 	snop  }
0x3b: {  	_ = 	snop  }
0x3c: {  	p2 =	seq.s32 s10, $0x1;
	s10 =	sld [smem:$0x3FBA]  }
0x3d: {  	_ =	shalt  }
0x3e: {  	_ =	shalt  }
0x3f: {  	_ =	shalt  }
0x40: {  	_ =	shalt  }
0x41: {  	_ =	shalt  }
0x42: {  	_ =	shalt  }
0x43: {  	_ =	shalt  }
0x44: {  	_ =	shalt  }
0x45: {  	_ =	shalt  }
0x46: {  	_ =	shalt  }
0x47: {  	_ =	shalt  }
0x48: {  	_ =	shalt  }
0x49: {  	_ =	shalt  }
0x4a: {  	_ =	shalt  }
0x4b: {  	_ =	shalt  }
0x4c: {  	_ =	shalt  }
0x4d: {  	_ =	shalt  }
0x4e: {  	_ =	shalt  }
0x4f: {  	_ =	shalt  }
0x50: {  	_ =	shalt  }
0x51: {  	_ =	shalt  }
0x52: {  	_ =	shalt  }
0x53: {  	_ =	shalt  }
0x54: {  	_ =	shalt  }
0x55: {  	_ =	shalt  }
0x56: {  	_ =	shalt  }
0x57: {  	_ =	shalt  }
0x58: {  	_ =	shalt  }
0x59: {  	_ =	shalt  }
0x5a: {  	_ =	shalt  }
0x5b: {  	_ =	shalt  }
0x5c: {  	_ =	shalt  }
0x5d: {  	_ =	shalt  }
0x5e: {  	_ =	shalt  }
0x5f: {  	_ =	shalt  }
0x60: {  	_ =	shalt  }
0x61: {  	_ =	shalt  }
0x62: {  	_ =	shalt  }
0x63: {  	_ =	shalt  }
0x64: {  	_ =	shalt  }
0x65: {  	_ =	shalt  }
0x66: {  	_ =	shalt  }
0x67: {  	_ =	shalt  }
0x68: {  	_ =	shalt  }
0x69: {  	_ =	shalt  }
0x6a: {  	_ =	shalt  }
0x6b: {  	_ =	shalt  }
0x6c: {  	_ =	shalt  }
0x6d: {  	_ =	shalt  }
0x6e: {  	_ =	shalt  }
0x6f: {  	_ =	shalt  }
0x70: {  	_ =	shalt  }
0x71: {  	_ =	shalt  }
0x72: {  	_ =	shalt  }
0x73: {  	_ =	shalt  }
0x74: {  	_ =	shalt  }
0x75: {  	_ =	shalt  }
0x76: {  	_ =	shalt  }
0x77: {  	_ =	shalt  }
0x78: {  	_ =	shalt  }
0x79: {  	_ =	shalt  }
0x7a: {  	_ =	shalt  }
0x7b: {  	_ =	shalt  }
0x7c: {  	_ =	shalt  }
0x7d: {  	_ =	shalt  }
0x7e: {  	_ =	shalt  }
0x7f: {  	_ =	shalt  }
0x80: {  	_ =	shalt  }
0x81: {  	_ =	shalt  }
0x82: {  	_ =	shalt  }
0x83: {  	_ =	shalt  }
0x84: {  	_ =	shalt  }
0x85: {  	_ =	shalt  }
0x86: {  	_ =	shalt  }
0x87: {  	_ =	shalt  }
.Lfunc_end0:
.L_simem_size_0:
called_computation.1_lowered:
.L_overlay_start_0:
0x88: {  	s2 =	sld [smem:$0x3FD9]  }
0x89: {  	s3 =	sld [smem:$0x3FFE];
	_ =	sdelay $0x1  }
0x8a: {  	s1 =	srdreg.scid  }
0x8b: {  	s0 =	sand.u32 $0x1, s1  }
0x8c: {  	s16 =	sshll.u32 s0, $0xA;
	s2 =	sadd.s32 s3, s2  }
0x8d: {  	s2 =	sadd.s32 s2, s16  }
0x8e: {  	[smem:$0x3FC6] =	sst s2  }
0x8f: {  	_ = 	snop  }
0x90: {  	(tm) =	ssettm $0x1  }
0x91: {  	s17 =	sld [smem:$0x3FFB];
	_ =	sdelay $0x3  }
0x92: {  	_ =	strace s17  }
0x93: {  	s2 =	sld [smem:$0x3FFC];
	_ =	sdelay $0x3  }
0x94: {  	_ =	strace s2  }
0x95: {  	s2 =	sld [smem:$0x3FFD];
	_ =	sdelay $0x3  }
0x96: {  	_ =	strace s2  }
0x97: {  	_ =	strace $0x8FFFFFFF  }
0x98: {  	s18 =	sld [smem:$0x3FDB];
	_ =	sdelay $0x1  }
0x99: {  	s19 =	simm.s32 $_scs_section_size  }
0x9a: {  	s4 =	simm.s32 $_size__tile_overlayer_lowered;
	s5 =	simm.s32 $_tile_overlayer_lowered  }
0x9b: {  	s22 =	simm.s32 $0x1BFF;
	s21 =	sshll.u32 s5, $0x1;
	s2 =	sadd.s32 s19, s18  }
0x9c: {  	s6 =	simm.s32 $0x0;
	s20 =	sshll.u32 s4, $0x1;
	s4 =	sadd.s32 s21, s2  }
0x9d: {  	[timem:s6], [sflag:s22] =	dma.local [hbm:s4], s20  }
0x9e: {  	_ =	swait.ge [sflag:s22], s20  }
0x9f: {  	s3 =	ssub.s32 $0x0, s20;
	[sflag:s22] =	ssyncset.done $0x0  }
0xa0: {  	[sflag:s22] =	ssyncadd.s32 s3;
	_ =	sdelay $0x1  }
0xa1: {  	s23 =	simm.s32 $0x1B8B  }
0xa2: {  	_ =	swait.ge [sflag:s23], $0x1  }
0xa3: {  	[sflag:s23] =	ssyncset.done $0x0  }
0xa4: {  	s25 =	simm.s32 $0x1B8E;
	s24 =	sld [smem:$0x3FFE];
	[sflag:s23] =	ssyncadd.s32 $0xFFFFFFFF  }
0xa5: {  	s26 =	simm.s32 $execute0_lowered;
	[smem:$0x3FD2] =	sst s25  }
0xa6: {  	s4 =	sshll.u32 s26, $0x1;
	_ =	strace $0x80000046;
	[dreg:$0x1] =	wrdreg $0xFFFFFFFF  }
0xa7: {  	s28 =	simm.s32 $_size_execute0_lowered;
	s2 =	sadd.s32 s2, s4;
	[dreg:$0x0] =	wrdreg $0x0  }
0xa8: {  	s4 =	sshll.u32 s28, $0x1;
	[dreg:$0x2] =	wrdreg s2  }
0xa9: {  	[dreg:$0x3] =	wrdreg s4  }
0xaa: {  	[dreg:$0x4] =	wrdreg $0xC0  }
0xab: {  	_ =	task [dreg:s6], $0x5FFFF  }
0xac: {  	[dreg:$0x1] =	wrdreg $0xFFFFFFFF  }
0xad: {  	[dreg:$0x0] =	wrdreg $0x60  }
0xae: {  	[dreg:$0x2] =	wrdreg s24  }
0xaf: {  	[dreg:$0x3] =	wrdreg $0x9  }
0xb0: {  	_ =	task.clear_ibuf [dreg:s6], $0x4FFFF;
	_ =	strace $0x90000046  }
0xb1: {  	s29 =	simm.s32 $0x9;
	_ =	strace $0x80000048  }
0xb2: {  	_ =	swait.ge [sflag:s29], $0x1  }
0xb3: {  	[sflag:s29] =	ssyncadd.s32 $0xFFFFFFFF  }
0xb4: {  	_ =	strace $0x90000048  }
0xb5: {  	_ =	sfence  }
0xb6: {  	s30 =	sld [smem:$0x0];
	_ =	sdelay $0x2  }
0xb7: {  	s31 =	sshll.u32 s1, $0xD;
	s1 =	sshrl.u32 s1, $0x2  }
0xb8: {  	s3 =	sand.u32 $0x4000, s31;
	s1 =	sadd.s32 s1, s30  }
0xb9: {  	s0 =	sor.u32 s3, s0;
	s1 =	sshll.u32 s1, $0x11  }
0xba: {  	s0 =	sor.u32 s1, s0  }
0xbb: {  	s0 =	sadd.s32 $0x8F2B, s0  }
0xbc: {  	[sflag:s0] =	ssyncadd.remote.s32 $0x1  }
0xbd: {  	_ =	sfence.sel $0xFFFF  }
0xbe: {  	[dreg:$0x0] =	wrdreg $0xFFFFFFFF;
	(pc) =	sbr.abs _section_cstart, $3  }
0xbf: {  	[dreg:$0x1] =	wrdreg $0xFFFFFFFF  }
0xc0: {  	_ =	task.clear_ibuf [dreg:s6], $0x2FFFF;
	_ =	strace $0x9FFFFFFF  }
0xc1: {  	(tm) =	ssettm $0x7FFFFFFF  }
tec
execute0_lowered:
.L_overlay_start_1:
0x0: {  	(tag) =	ssettag $0x1  }
0x1: {  	s0 =	rddreg [dreg:$0x0];
	s3 =	srdreg.scid;
	s2 =	simm.s32 $0x0  }
0x2: {  	s1 =	stileid.u32;
	s8 =	simm.s32 $0x32;
	s9 =	simm.s32 $0x4000  }
0x3: {  	s11 =	simm.s32 $0x5C00;
	s13 =	simm.s32 $0x7800;
	s15 =	simm.s32 $0x9400  }
0x4: {  	s16 =	simm.s32 $0x1;
	s17 =	simm.s32 $0xB000;
	s18 =	simm.s32 $0xCC00  }
0x5: {  	s19 =	simm.s32 $0x2;
	s20 =	simm.s32 $0xE800;
	s21 =	simm.s32 $0x10400  }
0x6: {  	s22 =	simm.s32 $0x3;
	s23 =	simm.s32 $0x4;
	s24 =	simm.s32 $0x5  }
0x7: {  	s25 =	simm.s32 $0x6;
	s26 =	simm.s32 $0x7;
	s28 =	simm.s32 $0x8  }
0x8: {  	s29 =	simm.s32 $0x0;
	s3 =	sand.u32 $0x1, s3;
	[smem:$0x7FF] =	sst s2  }
0x9: {  	s4 =	sshll.u32 s1, $0xC;
	s30 =	smul.u32 $0x38000, s1;
	s5 =	sshll.u32 s3, $0xB  }
.Ltmp0:
0xa: {  	_ =	strace $0x80000047;
	s6 =	ssub.s32 $0x2, s3;
	(pc) =	sbr.rel .LBB2_1-.Ltmp0, $4  }
0xb: {  	s7 =	smul.u32 $0x1C000, s3;
	s3 =	sadd.s32 $0x10800, s0;
	s4 =	sor.u32 s5, s4  }
0xc: {  	s31 =	sshrl.u32 s6, $0x1;
	s4 =	sadd.s32 s4, s0;
	s0 =	sadd.s32 s30, s0  }
0xd: {  	s5 =	ssub.s32 s6, s31;
	s4 =	sadd.s32 $0x800, s4;
	s0 =	sadd.s32 s7, s0  }
0xe: {  	s5 =	smax.u32 s5, $0x1;
	s7 =	simm.s32 $0x9;
	s6 =	sadd.s32 $0x197200, s0  }
.LBB2_4:
0xf: {  	_ =	swait.ge [sflag:s24], $0x3200  }
0x10: {  	[sflag:s24] =	ssyncset.done $0x0  }
0x11: {  	[sflag:s24] =	ssyncadd.s32 $0xFFFFCE00  }
0x12: {  	_ =	swait.ge [sflag:s25], $0x3200  }
0x13: {  	[sflag:s25] =	ssyncset.done $0x0  }
0x14: {  	s29 =	sadd.s32 $0x1, s29;
	[sflag:s25] =	ssyncadd.s32 $0xFFFFCE00  }
0x15: {  	p0 =	sne.s32 s29, s5;
	_ =	swait.ge [sflag:s26], $0x3200  }
.Ltmp1:
0x16: {  	[sflag:s26] =	ssyncset.done $0x0;
	(pc) =	sbr.rel @!p0 .LBB2_5-.Ltmp1, $4  }
0x17: {  	[sflag:s26] =	ssyncadd.s32 $0xFFFFCE00  }
0x18: {  	_ =	swait.ge [sflag:s28], $0x3200  }
0x19: {  	[sflag:s28] =	ssyncset.done $0x0  }
0x1a: {  	[sflag:s28] =	ssyncadd.s32 $0xFFFFCE00  }
.LBB2_1:
0x1b: {  	[tilespmem:s2], [sflag:$0x9] =	stream.linear.gather [hbm4b:s4+s2], $0x4000, $0x38;
	[tilespmem:$0x12000] =	vst v63  }
0x1c: {  	_ =	swait.ge [sflag:s7], $0x4000  }
0x1d: {  	[sflag:s7] =	ssyncset.done $0x0  }
0x1e: {  	[sflag:s7] =	ssyncadd.s32 $0xFFFFC000  }
0x1f: {  	[tilespmem:s9], [sflag:$0x1] =	stream.indirect.gather [hbm4b:s3+s8], $0x80, s2, s8, $0xb8;
	[tilespmem:$0x12000] =	vst v63  }
0x20: {  	s0 =	simm.s32 $0x80  }
0x21: {  	[tilespmem:s11], [sflag:$0x1] =	stream.indirect.gather [hbm4b:s3+s8], $0x80, s0, s8, $0xb8;
	[tilespmem:$0x12000] =	vst v63  }
0x22: {  	s12 =	simm.s32 $0x100  }
0x23: {  	[tilespmem:s13], [sflag:$0x2] =	stream.indirect.gather [hbm4b:s3+s8], $0x80, s12, s8, $0xb8;
	[tilespmem:$0x12000] =	vst v63  }
0x24: {  	s14 =	simm.s32 $0x180;
	s30 =	smov.u32 s6;
	s31 =	simm.s32 $0x0  }
0x25: {  	[tilespmem:s15], [sflag:$0x2] =	stream.indirect.gather [hbm4b:s3+s8], $0x80, s14, s8, $0xb8;
	[tilespmem:$0x12000] =	vst v63  }
.LBB2_2:
0x26: {  	_ =	swait.ge [sflag:s16], $0x1900  }
0x27: {  	[sflag:s16] =	ssyncset.done $0x0  }
0x28: {  	[sflag:s16] =	ssyncadd.s32 $0xFFFFE700  }
0x29: {  	_ =	swait.ge [sflag:s16], $0x1900  }
0x2a: {  	[sflag:s16] =	ssyncset.done $0x0  }
0x2b: {  	p0 =	seq.s32 s31, $0x0;
	[sflag:s16] =	ssyncadd.s32 $0xFFFFE700  }
0x2c: {  	[hbm4b:s30+s2] =	stream.linear.scatter [tilespmem:s9], [sflag:$0x5], $0x1900, $0x38;
	[tilespmem:$0x12000] =	vst v63  }
0x2d: {  	s0 =	sadd.s32 $0x380, s30;
	s1 =	simm.s32 @!p0 $0x7  }
0x2e: {  	[hbm4b:s0+s2] =	stream.linear.scatter [tilespmem:s11], [sflag:$0x5], $0x1900, $0x38;
	[tilespmem:$0x12000] =	vst v63  }
0x2f: {  	_ =	swait.ge @!p0 [sflag:s1], $0x3200  }
0x30: {  	s0 =	sshra.s32 s31, $0x2;
	[sflag:s1] =	ssyncset.done @!p0 $0x0  }
0x31: {  	s14 =	sadd.s32 $0x200, s0;
	[sflag:s1] =	ssyncadd.s32 @!p0 $0xFFFFCE00  }
0x32: {  	[tilespmem:s17], [sflag:$0x3] =	stream.indirect.gather [hbm4b:s3+s8], $0x80, s14, s8, $0xb8;
	[tilespmem:$0x12000] =	vst v63  }
0x33: {  	s10 =	sadd.s32 $0x280, s0  }
0x34: {  	[tilespmem:s18], [sflag:$0x3] =	stream.indirect.gather [hbm4b:s3+s8], $0x80, s10, s8, $0xb8;
	[tilespmem:$0x12000] =	vst v63  }
0x35: {  	_ =	swait.ge [sflag:s19], $0x1900  }
0x36: {  	[sflag:s19] =	ssyncset.done $0x0  }
0x37: {  	[sflag:s19] =	ssyncadd.s32 $0xFFFFE700  }
0x38: {  	_ =	swait.ge [sflag:s19], $0x1900  }
0x39: {  	[sflag:s19] =	ssyncset.done $0x0  }
0x3a: {  	s12 =	sadd.s32 $0x700, s30;
	[sflag:s19] =	ssyncadd.s32 $0xFFFFE700  }
0x3b: {  	[hbm4b:s12+s2] =	stream.linear.scatter [tilespmem:s13], [sflag:$0x6], $0x1900, $0x38;
	[tilespmem:$0x12000] =	vst v63  }
0x3c: {  	s1 =	simm.s32 @!p0 $0x8;
	s14 =	sadd.s32 $0xA80, s30  }
0x3d: {  	[hbm4b:s14+s2] =	stream.linear.scatter [tilespmem:s15], [sflag:$0x6], $0x1900, $0x38;
	[tilespmem:$0x12000] =	vst v63  }
0x3e: {  	_ =	swait.ge @!p0 [sflag:s1], $0x3200  }
0x3f: {  	[sflag:s1] =	ssyncset.done @!p0 $0x0  }
0x40: {  	s10 =	sadd.s32 $0x300, s0;
	[sflag:s1] =	ssyncadd.s32 @!p0 $0xFFFFCE00  }
0x41: {  	[tilespmem:s20], [sflag:$0x4] =	stream.indirect.gather [hbm4b:s3+s8], $0x80, s10, s8, $0xb8;
	[tilespmem:$0x12000] =	vst v63  }
0x42: {  	s12 =	sadd.s32 $0x380, s0  }
0x43: {  	[tilespmem:s21], [sflag:$0x4] =	stream.indirect.gather [hbm4b:s3+s8], $0x80, s12, s8, $0xb8;
	[tilespmem:$0x12000] =	vst v63  }
0x44: {  	_ =	swait.ge [sflag:s22], $0x1900  }
0x45: {  	[sflag:s22] =	ssyncset.done $0x0  }
0x46: {  	[sflag:s22] =	ssyncadd.s32 $0xFFFFE700  }
0x47: {  	_ =	swait.ge [sflag:s22], $0x1900  }
0x48: {  	[sflag:s22] =	ssyncset.done $0x0  }
0x49: {  	s14 =	sadd.s32 $0xE00, s30;
	p0 =	seq.s32 s31, $0xF000;
	[sflag:s22] =	ssyncadd.s32 $0xFFFFE700  }
0x4a: {  	[hbm4b:s14+s2] =	stream.linear.scatter [tilespmem:s17], [sflag:$0x7], $0x1900, $0x38;
	[tilespmem:$0x12000] =	vst v63  }
0x4b: {  	s10 =	sadd.s32 $0x1180, s30;
	s1 =	simm.s32 @!p0 $0x5  }
0x4c: {  	[hbm4b:s10+s2] =	stream.linear.scatter [tilespmem:s18], [sflag:$0x7], $0x1900, $0x38;
	[tilespmem:$0x12000] =	vst v63  }
0x4d: {  	_ =	swait.ge @!p0 [sflag:s1], $0x3200  }
0x4e: {  	[sflag:s1] =	ssyncset.done @!p0 $0x0  }
0x4f: {  	[sflag:s1] =	ssyncadd.s32 @!p0 $0xFFFFCE00;
	s1 =	sshra.s32 @!p0 s31, $0x2  }
0x50: {  	s12 =	simm.s32 @!p0 $0x32;
	s14 =	simm.s32 @!p0 $0x4000;
	s10 =	sadd.s32 @!p0 $0x400, s1  }
0x51: {  	[tilespmem:s14], [sflag:$0x1] =	stream.indirect.gather @!p0 [hbm4b:s3+s12], $0x80, s10, s12, $0xb8;
	[tilespmem:$0x12000] =	vst v63  }
0x52: {  	s1 =	sadd.s32 @!p0 $0x480, s1;
	s10 =	simm.s32 @!p0 $0x5C00  }
0x53: {  	[tilespmem:s10], [sflag:$0x1] =	stream.indirect.gather @!p0 [hbm4b:s3+s12], $0x80, s1, s12, $0xb8;
	[tilespmem:$0x12000] =	vst v63  }
0x54: {  	_ =	swait.ge [sflag:s23], $0x1900  }
0x55: {  	[sflag:s23] =	ssyncset.done $0x0  }
0x56: {  	[sflag:s23] =	ssyncadd.s32 $0xFFFFE700  }
0x57: {  	_ =	swait.ge [sflag:s23], $0x1900  }
.Ltmp2:
0x58: {  	[sflag:s23] =	ssyncset.done $0x0;
	(pc) =	sbr.rel @p0 .LBB2_4-.Ltmp2, $4  }
0x59: {  	s12 =	sadd.s32 $0x1500, s30;
	[sflag:s23] =	ssyncadd.s32 $0xFFFFE700  }
0x5a: {  	[hbm4b:s12+s2] =	stream.linear.scatter [tilespmem:s20], [sflag:$0x8], $0x1900, $0x38;
	[tilespmem:$0x12000] =	vst v63  }
0x5b: {  	s14 =	sadd.s32 $0x1880, s30  }
0x5c: {  	[hbm4b:s14+s2] =	stream.linear.scatter [tilespmem:s21], [sflag:$0x8], $0x1900, $0x38;
	[tilespmem:$0x12000] =	vst v63  }
0x5d: {  	_ =	swait.ge [sflag:s25], $0x3200  }
.Ltmp3:
0x5e: {  	[sflag:s25] =	ssyncset.done $0x0;
	(pc) =	sbr.rel .LBB2_2-.Ltmp3, $4  }
0x5f: {  	s1 =	sadd.s32 $0x500, s0;
	[sflag:s25] =	ssyncadd.s32 $0xFFFFCE00  }
0x60: {  	[tilespmem:s13], [sflag:$0x2] =	stream.indirect.gather [hbm4b:s3+s8], $0x80, s1, s8, $0xb8;
	[tilespmem:$0x12000] =	vst v63  }
0x61: {  	s14 =	sadd.s32 $0x580, s0;
	s31 =	sadd.s32 $0x1000, s31;
	s30 =	sadd.s32 $0x1C00, s30  }
0x62: {  	[tilespmem:s15], [sflag:$0x2] =	stream.indirect.gather [hbm4b:s3+s8], $0x80, s14, s8, $0xb8;
	[tilespmem:$0x12000] =	vst v63  }
.LBB2_5:
0x63: {  	_ =	sfence.sel $0x180000  }
0x64: {  	[bflag:$0x0] =	sbarrier.arrive $0xFFFF  }
0x65: {  	_ =	strace $0x90000047  }
0x66: {  	s0 =	stileid.u32;
	[bflag:$0x2] =	sbarrier.arrive $0xFFFF  }
0x67: {  	p0 =	sne.s32 s0, $0x0;
	s0 =	rddreg [dreg:$0x1]  }
0x68: {  	s0 =	sadd.s32 @!p0 $0x100000, s0  }
0x69: {  	[sflag:s0] =	ssyncadd.tile.s32 @!p0 $0x1;
	_ =	shalt  }
.Lfunc_end2:
_tile_overlayer_lowered:
.L_overlay_start_2:
0x6a: {  	(tag) =	ssettag $0x2  }
0x6b: {  	s0 =	rddreg [dreg:$0x0];
	s2 =	stileid.u32  }
0x6c: {  	s1 =	rddreg [dreg:$0x1];
	p0 =	sne.s32 s2, $0x0  }
0x6d: {  	s3 =	rddreg [dreg:$0x2];
	[bflag:$0x3] =	sbarrier.arrive $0xFFFF;
	s2 =	simm.s32 @!p0 $0x1C09  }
0x6e: {  	[timem:s3], [sflag:s2] =	dma.local @!p0 [hbm:s0], s1  }
0x6f: {  	s0 =	simm.s32 @!p0 $0x9  }
0x70: {  	_ =	swait.ge @!p0 [sflag:s0], s1  }
0x71: {  	s1 =	ssub.s32 @!p0 $0x0, s1;
	[sflag:s0] =	ssyncset.done @!p0 $0x0  }
0x72: {  	[sflag:s0] =	ssyncadd.s32 @!p0 s1  }
0x73: {  	[bflag:$0x3] =	sbarrier.arrive $0xFFFF  }
0x74: {  	_ =	shalt  }

// kernel: sparse-core-data-format-call.cloned.1.call-start
scs
called_computation_lowered:
.L_overlay_start_0:
0x0: {  	s2 =	sld [smem:$0x3FD9]  }
0x1: {  	s3 =	sld [smem:$0x3FFE];
	_ =	sdelay $0x1  }
0x2: {  	s1 =	srdreg.scid  }
0x3: {  	s0 =	sand.u32 $0x1, s1  }
0x4: {  	s18 =	sshll.u32 s0, $0xA;
	s2 =	sadd.s32 s3, s2  }
0x5: {  	s2 =	sadd.s32 s2, s18  }
0x6: {  	[smem:$0x3FC6] =	sst s2  }
0x7: {  	_ = 	snop  }
0x8: {  	s2 =	sld [smem:$0x3FD0];
	(tm) =	ssettm $0x1  }
0x9: {  	s19 =	sld [smem:$0x3FFB];
	_ =	sdelay $0x3  }
0xa: {  	_ =	strace s19  }
0xb: {  	s3 =	sld [smem:$0x3FFC];
	_ =	sdelay $0x3  }
0xc: {  	_ =	strace s3  }
0xd: {  	s3 =	sld [smem:$0x3FFD];
	_ =	sdelay $0x3  }
0xe: {  	_ =	strace s3  }
0xf: {  	_ =	strace $0x8FFFFFFF  }
0x10: {  	s20 =	sld [smem:$0x3FDB];
	_ =	sdelay $0x1  }
0x11: {  	s4 =	simm.s32 $_scs_section_size  }
0x12: {  	s5 =	simm.s32 $_size__tile_overlayer_lowered;
	s6 =	simm.s32 $_tile_overlayer_lowered  }
0x13: {  	s23 =	simm.s32 $0x1BFF;
	s22 =	sshll.u32 s6, $0x1;
	s3 =	sadd.s32 s4, s20  }
0x14: {  	s7 =	simm.s32 $0x0;
	s21 =	sshll.u32 s5, $0x1;
	s5 =	sadd.s32 s22, s3  }
0x15: {  	[timem:s7], [sflag:s23] =	dma.local [hbm:s5], s21  }
0x16: {  	_ =	swait.ge [sflag:s23], s21  }
0x17: {  	s4 =	ssub.s32 $0x0, s21;
	[sflag:s23] =	ssyncset.done $0x0  }
0x18: {  	[sflag:s23] =	ssyncadd.s32 s4;
	_ =	sdelay $0x1  }
0x19: {  	s24 =	simm.s32 $0x1B8B  }
0x1a: {  	_ =	swait.ge [sflag:s24], $0x1  }
0x1b: {  	[sflag:s24] =	ssyncset.done $0x0  }
0x1c: {  	s26 =	simm.s32 $0x1B8E;
	s25 =	sld [smem:$0x3FFE];
	[sflag:s24] =	ssyncadd.s32 $0xFFFFFFFF  }
0x1d: {  	s27 =	simm.s32 $execute0_lowered;
	[smem:$0x3FD2] =	sst s26  }
0x1e: {  	s5 =	sshll.u32 s27, $0x1;
	_ =	strace $0x80000049;
	[dreg:$0x1] =	wrdreg $0xFFFFFFFF  }
0x1f: {  	s28 =	simm.s32 $_size_execute0_lowered;
	s3 =	sadd.s32 s3, s5;
	[dreg:$0x0] =	wrdreg $0x0  }
0x20: {  	s5 =	sshll.u32 s28, $0x1;
	[dreg:$0x2] =	wrdreg s3  }
0x21: {  	[dreg:$0x3] =	wrdreg s5  }
0x22: {  	[dreg:$0x4] =	wrdreg $0xC0  }
0x23: {  	_ =	task [dreg:s7], $0x5FFFF  }
0x24: {  	[dreg:$0x1] =	wrdreg $0xFFFFFFFF  }
0x25: {  	[dreg:$0x0] =	wrdreg $0x60  }
0x26: {  	[dreg:$0x2] =	wrdreg s25  }
0x27: {  	[dreg:$0x3] =	wrdreg s2  }
0x28: {  	[dreg:$0x4] =	wrdreg $0x9  }
0x29: {  	_ =	task.clear_ibuf [dreg:s7], $0x5FFFF;
	_ =	strace $0x90000049  }
0x2a: {  	s29 =	simm.s32 $0x9;
	_ =	strace $0x8000004B  }
0x2b: {  	_ =	swait.ge [sflag:s29], $0x1  }
0x2c: {  	[sflag:s29] =	ssyncadd.s32 $0xFFFFFFFF  }
0x2d: {  	_ =	strace $0x9000004B  }
0x2e: {  	_ =	sfence  }
0x2f: {  	s30 =	sld [smem:$0x0];
	_ =	sdelay $0x2  }
0x30: {  	s31 =	sshll.u32 s1, $0xD;
	s1 =	sshrl.u32 s1, $0x2  }
0x31: {  	s3 =	sand.u32 $0x4000, s31;
	s1 =	sadd.s32 s1, s30  }
0x32: {  	s0 =	sor.u32 s3, s0;
	s1 =	sshll.u32 s1, $0x11  }
0x33: {  	s0 =	sor.u32 s1, s0  }
0x34: {  	s0 =	sadd.s32 $0x8F2B, s0  }
0x35: {  	[sflag:s0] =	ssyncadd.remote.s32 $0x1  }
0x36: {  	_ =	sfence.sel $0xFFFF  }
0x37: {  	[dreg:$0x0] =	wrdreg $0xFFFFFFFF;
	(pc) =	sbr.abs _section_cstart, $3  }
0x38: {  	[dreg:$0x1] =	wrdreg $0xFFFFFFFF  }
0x39: {  	_ =	task.clear_ibuf [dreg:s7], $0x2FFFF;
	_ =	strace $0x9FFFFFFF  }
0x3a: {  	(tm) =	ssettm $0x7FFFFFFF  }
0x3b: {  	_ =	shalt  }
tec
execute0_lowered:
.L_overlay_start_1:
0x0: {  	(tag) =	ssettag $0x1  }
0x1: {  	s0 =	srdreg.scid  }
0x2: {  	s1 =	sshll.u32 s0, $0x4  }
0x3: {  	s0 =	stileid.u32;
	s1 =	sand.u32 $0x10, s1  }
0x4: {  	s1 =	sor.u32 s0, s1  }
0x5: {  	s6 =	rddreg [dreg:$0x0];
	s4 =	simm.s32 $0x1;
	s2 =	sshll.u32 s1, $0x7  }
0x6: {  	s7 =	simm.s32 $0x2;
	s12 =	simm.s32 $0x0;
	s1 =	ssub.s32 $0x1000, s2  }
0x7: {  	s8 =	simm.s32 $0x8000;
	s13 =	simm.s32 $0x0;
	s3 =	sand.u32 $0xF80, s1  }
0x8: {  	s9 =	simm.s32 $0x0;
	s5 =	sshrl.u32 s1, $0xC;
	p0 =	sne.s32 s3, $0x0  }
.Ltmp0:
0x9: {  	s1 =	rddreg [dreg:$0x2];
	s4 =	simm.s32 @!p0 $0x0;
	(pc) =	sbr.rel .LBB1_1-.Ltmp0, $4  }
0xa: {  	s11 =	simm.s32 $0x0;
	s3 =	rddreg [dreg:$0x1];
	s5 =	sadd.s32 s4, s5  }
0xb: {  	_ =	strace $0x8000004A;
	s4 =	simm.s32 $0x1;
	s5 =	smul.u32 $0x32, s5  }
0xc: {  	s6 =	sadd.s32 $0x197200, s6;
	s10 =	smov.u32 s2;
	[sflag:s4] =	ssyncpa.u1 $0x0  }
0xd: {  	p0 =	por $0x0, $0x0;
	[sflag:s7] =	ssyncpa.u1 $0x0;
	s7 =	sor.u32 $0x1, s5  }
.LBB1_4:
0xe: {  	s16 =	sshll.u32 s13, $0x3;
	s17 =	sand.u32 $0x78, s13  }
0xf: {  	s30 =	sand.u32 $0x7E00, s13;
	s12 =	sshll.u32 s12, $0xF;
	s16 =	sand.u32 $0xC00, s16  }
0x10: {  	[tilespmem:s15+$0x810 ss:$0x81] =	vst.msk $0xffff, v2;
	s31 =	sand.u32 $0x7, s13;
	s16 =	sor.u32 s17, s16;
	s17 =	sadd.s32 s3, s30  }
0x11: {  	[tilespmem:s15+$0x1020 ss:$0x81] =	vst.msk $0xffff, v0;
	s13 =	sshll.u32 s31, $0x12;
	s12 =	sadd.s32 s12, s17;
	s16 =	sshrl.u32 s16, $0x3  }
0x12: {  	[tilespmem:s15+$0x0 ss:$0x81] =	vst.msk $0xffff, v1;
	s13 =	sor.u32 $0x400, s13;
	s12 =	sadd.s32 s16, s12  }
0x13: {  	[hbm4b:s12+s13] =	stream.strided.scatter [tilespmem:s14], [sflag:$0x2], $0x2000, s8, s13, $0x20;
	[tilespmem:$0x8080] =	vst v63  }
.LBB1_5:
0x14: {  	s14 =	sadd.s32 $0x1, s9  }
0x15: {  	s12 =	sadd.s32 $0x1000, s10;
	s16 =	smov.u32 s10;
	p2 =	sgt.s32 s14, $0x31  }
0x16: {  	s16 =	smov.u32 @p2 s12  }
0x17: {  	s14 =	simm.s32 @p2 $0x0;
	p2 =	sgt.s32 s16, $0xFFF  }
0x18: {  	s16 =	smov.u32 @p2 s2;
	p2 =	sne.s32 s11, s7  }
.Ltmp1:
0x19: {  	p1 =	slt.u32 s11, $0x2;
	(pc) =	sbr.rel @!p2 .LBB1_6-.Ltmp1, $4  }
0x1a: {  	s15 =	simm.s32 @!p1 $0x2  }
0x1b: {  	s13 =	smov.u32 s10;
	p0 =	por !p0, !p0;
	_ =	swait.ge @!p1 [sflag:s15], $0x2000  }
0x1c: {  	s12 =	smov.u32 s9;
	[sflag:s15] =	ssyncset.done @!p1 $0x0;
	s9 =	smov.u32 s14  }
0x1d: {  	s11 =	sadd.s32 $0x1, s11;
	[sflag:s15] =	ssyncadd.s32 @!p1 $0xFFFFE000;
	s10 =	smov.u32 s16  }
.LBB1_1:
0x1e: {  	p1 =	sge.u32 s11, s5  }
0x1f: {  	s14 =	sand.u32 @!p1 $0x1FFFFFF, s9  }
0x20: {  	s15 =	smulhi.u32 @!p1 $0x4924925, s14;
	_ =	sdelay $0x1  }
0x21: {  	s15 =	smul.u32 @!p1 $0x38, s15  }
0x22: {  	s16 =	sxor.u32 @!p1 $0xFFFFFFFF, s11;
	s17 =	smul.u32 @!p1 $0x380, s10  }
0x23: {  	s31 =	sadd.s32 $0xFFFFFFFF, s11;
	s16 =	sshll.u32 @!p1 s16, $0xD;
	s14 =	ssub.s32 @!p1 s14, s15  }
0x24: {  	s15 =	sand.u32 @!p1 $0x2000, s16;
	s16 =	sadd.s32 @!p1 s6, s17;
	s14 =	sshll.u32 @!p1 s14, $0x4  }
0x25: {  	s17 =	simm.s32 @!p1 $0x1C00;
	s14 =	sadd.s32 @!p1 s14, s16;
	s16 =	simm.s32 @!p1 $0x40  }
0x26: {  	[tilespmem:s15], [sflag:$0x1] =	stream.strided.gather @!p1 [hbm4b:s14+s16], $0x2000, s17, s16, $0x38;
	[tilespmem:$0x8080] =	vst v63  }
0x27: {  	p1 =	sge.u32 s31, s5  }
.Ltmp2:
0x28: {  	_ = 	snop;
	(pc) =	sbr.rel @p1 .LBB1_5-.Ltmp2, $1  }
0x29: {  	_ =	sdelay $0x3  }
0x2a: {  	s14 =	simm.s32 $0x1  }
0x2b: {  	_ =	swait.ge [sflag:s4], $0x2000;
	s14 =	simm.s32 @!p0 $0x0  }
0x2c: {  	[sflag:s4] =	ssyncset.done $0x0;
	s15 =	sshll.u32 s14, $0xD  }
0x2d: {  	[sflag:s4] =	ssyncadd.s32 $0xFFFFE000;
	s18 =	sor.u32 $0x20, s15  }
0x2e: {  	s14 =	smul.u32 $0x8100, s14;
	v3 =	vld [tilespmem:s18+$0x10]  }
0x2f: {  	s30 =	sand.u32 $0x1, s11;
	v2 =	vld [tilespmem:s18+$0xFFFFFFF0]  }
0x30: {  	s15 =	smul.u32 $0x8100, s30;
	s14 =	sshrl.u32 s14, $0x2;
	v0 =	vld [tilespmem:s18+$0x0]  }
0x31: {  	v1 =	vld [tilespmem:s18+$0xFFFFFFE0];
	s16 =	sor.u32 $0x4000, s14  }
0x32: {  	s31 =	sshrl.u32 s15, $0x2;
	s15 =	sadd.s32 $0x0, s16  }
0x33: {  	s17 =	simm.s32 $0x4;
	s18 =	sadd.s32 $0x40, s18;
	s14 =	sor.u32 $0x4000, s31;
	[tilespmem:s15+$0x1830 ss:$0x81] =	vst.msk $0xffff, v3  }
.LBB1_3:
0x34: {  	v3 =	vld [tilespmem:s18+$0x10];
	p1 =	sne.s32 s17, $0x1FC;
	[tilespmem:s15+$0x810 ss:$0x81] =	vst.msk $0xffff, v2;
	s19 =	smov.u32 s17;
	s17 =	sadd.s32 $0x4, s17  }
.Ltmp3:
0x35: {  	v2 =	vld [tilespmem:s18+$0xFFFFFFF0];
	[tilespmem:s15+$0x1020 ss:$0x81] =	vst.msk $0xffff, v0;
	(pc) =	sbr.rel @p1 .LBB1_3-.Ltmp3, $4  }
0x36: {  	v0 =	vld [tilespmem:s18+$0x0];
	[tilespmem:s15+$0x0 ss:$0x81] =	vst.msk $0xffff, v1  }
0x37: {  	s15 =	sshra.s32 s19, $0x2;
	v1 =	vld [tilespmem:s18+$0xFFFFFFE0]  }
0x38: {  	s15 =	sadd.s32 s15, s16  }
0x39: {  	s18 =	sadd.s32 $0x40, s18;
	[tilespmem:s15+$0x1830 ss:$0x81] =	vst.msk $0xffff, v3  }
.Ltmp4:
0x3a: {  	_ = 	snop;
	(pc) =	sbr.rel .LBB1_4-.Ltmp4, $1  }
0x3b: {  	_ =	sdelay $0x3  }
.LBB1_6:
0x3c: {  	_ =	sfence.sel $0x180000  }
0x3d: {  	s2 =	simm.s32 $0x1;
	[bflag:$0x0] =	sbarrier.arrive $0xFFFF  }
0x3e: {  	s31 =	simm.s32 $0x2;
	[sflag:s2] =	ssyncpa.u1 $0x1  }
0x3f: {  	[sflag:s31] =	ssyncpa.u1 $0x1  }
0x40: {  	p0 =	sne.s32 s0, $0x0;
	_ =	strace $0x9000004A  }
0x41: {  	s0 =	sadd.s32 @!p0 $0x100000, s1;
	[bflag:$0x2] =	sbarrier.arrive $0xFFFF  }
0x42: {  	[sflag:s0] =	ssyncadd.tile.s32 @!p0 $0x1;
	_ =	shalt  }
.Lfunc_end1:
_tile_overlayer_lowered:
.L_overlay_start_2:
0x43: {  	(tag) =	ssettag $0x2  }
0x44: {  	s0 =	rddreg [dreg:$0x0];
	s2 =	stileid.u32  }
0x45: {  	s1 =	rddreg [dreg:$0x1];
	p0 =	sne.s32 s2, $0x0  }
0x46: {  	s3 =	rddreg [dreg:$0x2];
	[bflag:$0x3] =	sbarrier.arrive $0xFFFF;
	s2 =	simm.s32 @!p0 $0x1C01  }
0x47: {  	[timem:s3], [sflag:s2] =	dma.local @!p0 [hbm:s0], s1  }
0x48: {  	s0 =	simm.s32 @!p0 $0x1  }
0x49: {  	_ =	swait.ge @!p0 [sflag:s0], s1  }
0x4a: {  	s1 =	ssub.s32 @!p0 $0x0, s1;
	[sflag:s0] =	ssyncset.done @!p0 $0x0  }
0x4b: {  	[sflag:s0] =	ssyncadd.s32 @!p0 s1  }
0x4c: {  	[bflag:$0x3] =	sbarrier.arrive $0xFFFF  }
0x4d: {  	_ =	shalt  }

</sc_bundles>
